<compile_context>
chip_gen: v7x
topology: tpu7x:2x2x1
jax: 0.10.2.dev20260603
libtpu: 0.0.44.dev20260713+nightly
codegen_flags: <defaults>
</compile_context>

<pallas_src>
import functools
import math

import jax
import jax.numpy as jnp
import numpy as np
from jax.experimental import pallas as pl
from jax.experimental.pallas import tpu as pltpu
from jax.experimental.pallas import tpu_sc as plsc

T = 128

_ti = np.arange(T)[:, None]
_tj = np.arange(T)[None, :]
_SEL = (np.arange(2 * T)[:, None] == (T + _ti - _tj).reshape(1, -1))
_SEL = _SEL.astype(np.float32)


def _qkv_kernel(n_rope, x_ref, w_ref, cos_ref, sin_ref, o_ref):
    n = pl.program_id(0)
    t = jnp.dot(x_ref[...], w_ref[...], preferred_element_type=jnp.float32)
    c = cos_ref[...]
    s = sin_ref[...]
    half = t.shape[1] // 2
    e = t[:, :half]
    o = t[:, half:]
    roped = jnp.concatenate([e * c - o * s, e * s + o * c], axis=1)
    o_ref[...] = jnp.where(n < n_rope, roped, t).astype(jnp.bfloat16)


def _attn_kernel(BQ, q_ref, k_ref, v_ref, vert_ref, slash_ref, o_ref):
    RQ = BQ // T
    qi = pl.program_id(1)
    q = q_ref[...]
    ii = jax.lax.broadcasted_iota(jnp.int32, (BQ, T), 0) + qi * BQ
    jj = jax.lax.broadcasted_iota(jnp.int32, (BQ, T), 1)
    diff = ii - jj

    def make_body(causal):
        def body(ki, carry):
            l, acc = carry
            kt = k_ref[pl.ds(ki * T, T), :]
            vt = v_ref[pl.ds(ki * T, T), :]
            s = jax.lax.dot_general(
                q, kt, (((1,), (1,)), ((), ())),
                preferred_element_type=jnp.float32)
            sl = slash_ref[0, pl.ds(RQ * qi - ki + RQ - 1, RQ), :, :]
            sl = sl.reshape(BQ, T)
            vr = vert_ref[0, 0, pl.ds(ki * T, T)]
            m01 = jnp.minimum(sl + vr[None, :],
                              jnp.bfloat16(1.0)).astype(jnp.float32)
            if causal:
                m01 = jnp.where(diff >= ki * T, m01, 0.0)
            p = jnp.exp(s) * m01
            l_new = l + jnp.sum(p, axis=1, keepdims=True)
            acc_new = acc + jnp.dot(p.astype(jnp.bfloat16), vt,
                                    preferred_element_type=jnp.float32)
            return l_new, acc_new
        return body

    l0 = jnp.zeros((BQ, 1), dtype=jnp.float32)
    a0 = jnp.zeros((BQ, q.shape[1]), dtype=jnp.float32)
    nc_body = make_body(False)

    def body_u(kk, carry):
        for u in range(RQ):
            carry = nc_body(RQ * kk + u, carry)
        return carry

    l, acc = jax.lax.fori_loop(0, qi, body_u, (l0, a0))
    c_body = make_body(True)
    for u in range(RQ):
        l, acc = c_body(RQ * qi + u, (l, acc))
    o_ref[...] = (acc / l).astype(jnp.bfloat16)


def _proj_kernel(a_ref, w_ref, o_ref):
    o_ref[...] = jnp.dot(a_ref[...], w_ref[...],
                         preferred_element_type=jnp.float32)


def _sc_tables_body(H, S, VSZ, idx_hbm, out_hbm, row_v, idx_v):
    NL = 16
    del H
    c = jax.lax.axis_index("c")
    sbc = jax.lax.axis_index("s")
    wid = sbc * 2 + c

    pltpu.sync_copy(idx_hbm.at[pl.ds(wid * VSZ, VSZ)], idx_v)
    zero16 = jnp.zeros((NL,), jnp.float32)

    def zbody(i, carry):
        row_v[pl.ds(i * NL, NL)] = zero16
        return carry

    jax.lax.fori_loop(0, S // NL, zbody, 0)
    one16 = jnp.ones((NL,), jnp.float32)
    for g in range(VSZ // NL):
        idx16 = idx_v[pl.ds(g * NL, NL)]
        plsc.store_scatter(row_v, [idx16], one16)
    pltpu.sync_copy(row_v, out_hbm.at[pl.ds(wid * S, S)])


def _build_tables(vidx, sidx, S):
    H, VSZ = vidx.shape
    SSZ = sidx.shape[1]
    idx_flat = jnp.concatenate(
        [vidx, jnp.pad(sidx, ((0, 0), (0, VSZ - SSZ)))], axis=0).reshape(-1)
    mesh = plsc.VectorSubcoreMesh(core_axis_name="c", subcore_axis_name="s")
    fn = pl.kernel(
        functools.partial(_sc_tables_body, H, S, VSZ),
        out_type=jax.ShapeDtypeStruct((2 * H * S,), jnp.float32),
        mesh=mesh,
        scratch_types=[
            pltpu.VMEM((S,), jnp.float32),
            pltpu.VMEM((VSZ,), jnp.int32),
        ],
        compiler_params=pltpu.CompilerParams(needs_layout_passes=False),
    )
    tables = fn(idx_flat).reshape(2, H, S)
    return tables[0], tables[1]


def _halves_perm(w, hd):
    d, n = w.shape[0], w.shape[1] // hd
    return w.reshape(d, n, hd // 2, 2).transpose(0, 1, 3, 2).reshape(d, n * hd)


def kernel(x, wq, wk, wv, wo, cos, sin, vertical_idx, slash_idx):
    B, S, D = x.shape
    HD = 2 * cos.shape[1]
    H = wq.shape[1] // HD
    KVH = wk.shape[1] // HD
    NT = S // T
    scale = 1.0 / math.sqrt(HD)

    BQ = min(512, S)
    RQ = BQ // T
    x2 = x.reshape(S, D).astype(jnp.bfloat16)
    w_cat = jnp.concatenate(
        [_halves_perm(wq, HD) * scale, _halves_perm(wk, HD), wv],
        axis=1).astype(jnp.bfloat16)
    n_blocks = w_cat.shape[1] // T
    n_rope = (H + KVH) * (HD // T)

    vidx = vertical_idx[0].astype(jnp.int32)
    sidx = slash_idx[0].astype(jnp.int32)
    vert, slash = _build_tables(vidx, sidx, S)
    sp = jnp.concatenate([jnp.zeros((H, T), jnp.float32), slash], axis=1)
    a = sp.reshape(H, NT + 1, T)
    windows = jnp.concatenate([a[:, :NT], a[:, 1:NT + 1]],
                              axis=2).astype(jnp.bfloat16)
    slash_tiles = jnp.einsum('hdu,ux->hdx', windows,
                             jnp.asarray(_SEL, jnp.bfloat16),
                             preferred_element_type=jnp.bfloat16)
    slash_tiles = slash_tiles.reshape(H, NT, T, T)
    slash_tiles = jnp.concatenate(
        [jnp.zeros((H, RQ - 1, T, T), jnp.bfloat16), slash_tiles], axis=1)
    vert3 = vert.reshape(H, 1, S).astype(jnp.bfloat16)

    qkv = pl.pallas_call(
        functools.partial(_qkv_kernel, n_rope),
        grid=(n_blocks,),
        in_specs=[
            pl.BlockSpec((S, D), lambda n: (0, 0)),
            pl.BlockSpec((D, T), lambda n: (0, n)),
            pl.BlockSpec((S, HD // 2), lambda n: (0, 0)),
            pl.BlockSpec((S, HD // 2), lambda n: (0, 0)),
        ],
        out_specs=pl.BlockSpec((S, T), lambda n: (0, n)),
        out_shape=jax.ShapeDtypeStruct((S, n_blocks * T), jnp.bfloat16),
    )(x2, w_cat, cos, sin)

    nrep = H // KVH
    attn = pl.pallas_call(
        functools.partial(_attn_kernel, BQ),
        grid=(H, S // BQ),
        in_specs=[
            pl.BlockSpec((BQ, HD), lambda h, qi: (qi, h)),
            pl.BlockSpec((S, HD), lambda h, qi: (0, H + h // nrep)),
            pl.BlockSpec((S, HD), lambda h, qi: (0, H + KVH + h // nrep)),
            pl.BlockSpec((1, 1, S), lambda h, qi: (h, 0, 0)),
            pl.BlockSpec((1, NT + RQ - 1, T, T), lambda h, qi: (h, 0, 0, 0)),
        ],
        out_specs=pl.BlockSpec((BQ, HD), lambda h, qi: (qi, h)),
        out_shape=jax.ShapeDtypeStruct((S, H * HD), jnp.bfloat16),
    )(qkv, qkv, qkv, vert3, slash_tiles)

    out = pl.pallas_call(
        _proj_kernel,
        grid=(NT,),
        in_specs=[
            pl.BlockSpec((T, H * HD), lambda i: (i, 0)),
            pl.BlockSpec((H * HD, D), lambda i: (0, 0)),
        ],
        out_specs=pl.BlockSpec((T, D), lambda i: (i, 0)),
        out_shape=jax.ShapeDtypeStruct((S, D), jnp.float32),
    )(attn, wo.astype(jnp.bfloat16))

    return out.reshape(B, S, D)

# --- scband reference (transcript-rebuilt; emitter-appended) ---
"""Pipeline reference for scband-attention-6442450944516 (READ-ONLY COPY).

The authoritative reference and input builder live on the scoring server;
editing this copy changes nothing except your own understanding.
"""

import math
import jax, jax.numpy as jnp
import numpy as np

B, S, D = 1, 2048, 2048
H, KVH, HD = 16, 8, 128
VSZ, SSZ = 256, 128

def setup_inputs(seed: int = 0) -> dict:
    key = jax.random.key(seed)
    ks = jax.random.split(key, 8)
    x = jax.random.normal(ks[0], (B, S, D), dtype=jnp.float32)
    wq = jax.random.normal(ks[1], (D, H * HD), dtype=jnp.float32) * 0.02
    wk = jax.random.normal(ks[2], (D, KVH * HD), dtype=jnp.float32) * 0.02
    wv = jax.random.normal(ks[3], (D, KVH * HD), dtype=jnp.float32) * 0.02
    wo = jax.random.normal(ks[4], (H * HD, D), dtype=jnp.float32) * 0.02
    inv_freq = 1.0 / (10000.0 ** (np.arange(0, HD, 2, dtype=np.float64) / HD))
    t = np.arange(S, dtype=np.float64)
    freqs = np.outer(t, inv_freq)
    cos = jnp.asarray(np.cos(freqs), dtype=jnp.float32)
    sin = jnp.asarray(np.sin(freqs), dtype=jnp.float32)
    vertical_idx = jax.random.randint(ks[5], (B, H, VSZ), 0, S, dtype=jnp.int32).astype(jnp.int64)
    slash_idx = jax.random.randint(ks[6], (B, H, SSZ), 0, S, dtype=jnp.int32).astype(jnp.int64)
    return {"x": x, "wq": wq, "wk": wk, "wv": wv, "wo": wo, "cos": cos, "sin": sin, "vertical_idx": vertical_idx, "slash_idx": slash_idx}

def _apply_rope(xq, cos, sin):
    # xq: (B, S, h, HD); pairs are adjacent on last dim (view_as_complex semantics)
    shp = xq.shape
    xr = xq.reshape(shp[:-1] + (HD // 2, 2))
    xe = xr[..., 0]
    xo = xr[..., 1]
    c = cos[None, :, None, :]
    s = sin[None, :, None, :]
    oe = xe * c - xo * s
    oo = xe * s + xo * c
    return jnp.stack([oe, oo], axis=-1).reshape(shp)

def _forward(x, wq, wk, wv, wo, cos, sin, vertical_idx, slash_idx):
    n_rep = H // KVH
    xq = (x @ wq).reshape(B, S, H, HD)
    xk = (x @ wk).reshape(B, S, KVH, HD)
    xv = (x @ wv).reshape(B, S, KVH, HD)
    xq = _apply_rope(xq, cos, sin)
    xk = _apply_rope(xk, cos, sin)
    # repeat_kv
    xk = jnp.repeat(xk, n_rep, axis=2)
    xv = jnp.repeat(xv, n_rep, axis=2)
    q = xq.transpose(0, 2, 1, 3)
    k = xk.transpose(0, 2, 1, 3)
    v = xv.transpose(0, 2, 1, 3)
    scores = jnp.einsum('bhqd,bhkd->bhqk', q, k) / math.sqrt(HD)
    ar = jnp.arange(S)
    # vertical columns: key index in per-head top-k vertical set
    vert_mask = jnp.any(ar[None, None, None, :] == vertical_idx[:, :, :, None], axis=2)  # (B,H,S)
    # slash diagonals: offset (q-k) in per-head slash set; always keep the main diagonal
    slash_set = jnp.any(ar[None, None, None, :] == slash_idx[:, :, :, None], axis=2)  # (B,H,S)
    slash_set = slash_set.at[:, :, 0].set(True)
    diff = ar[:, None] - ar[None, :]
    causal = diff >= 0
    diffc = jnp.clip(diff, 0, S - 1)
    slash_mask = slash_set[:, :, diffc]  # (B,H,S,S)
    allowed = causal[None, None, :, :] & (vert_mask[:, :, None, :] | slash_mask)
    scores = jnp.where(allowed, scores, jnp.float32(-1e9))
    probs = jax.nn.softmax(scores, axis=-1)
    out = jnp.einsum('bhqk,bhkd->bhqd', probs, v)
    out = out.transpose(0, 2, 1, 3).reshape(B, S, H * HD)
    return out @ wo

def reference(x, wq, wk, wv, wo, cos, sin, vertical_idx, slash_idx):
    return _forward(x, wq, wk, wv, wo, cos, sin, vertical_idx, slash_idx)

if __name__ == "__main__":
    import jax
    _d = setup_inputs()
    print(jax.jit(kernel)(*tuple(_d.values())))

</pallas_src>

<mosaic_0001>
#map = affine_map<(d0, d1) -> (0)>
module attributes {stable_mosaic.version = 14 : i64} {
  func.func @_sc_tables_body(%arg0: i32, %arg1: i32, %arg2: memref<8192xi32, #tpu.memory_space<hbm>>, %arg3: memref<65536xf32, #tpu.memory_space<hbm>>, %arg4: memref<2048xf32, #tpu.memory_space<vmem>>, %arg5: memref<256xi32, #tpu.memory_space<vmem>>) attributes {dimension_semantics = [#tpu.dimension_semantics<core_parallel>, #tpu.dimension_semantics<subcore_parallel>], iteration_bounds = array<i64: 2, 16>, scalar_prefetch = 0 : i64, scratch_operands = 2 : i64, tpu.core_type = #tpu.core_type<sc_vector_subcore>, window_params = [{transform_indices = #map}, {transform_indices = #map}]} {
    %mul3A = arith.constant 2 : i32
    %mul3A_0 = arith.muli %arg1, %mul3A : i32
    %add3A = arith.addi %mul3A_0, %arg0 : i32
    %mul3A_1 = arith.constant 256 : i32
    %mul3A_2 = arith.muli %add3A, %mul3A_1 : i32
    "tpu.region"() ({
      %run_scoped3A = tpu.sem_alloc : memref<!tpu.dma_semaphore, #tpu.memory_space<semaphore_mem>>
      %dma_start3A = tpu.memref_slice %arg2[%mul3A_2] : memref<8192xi32, #tpu.memory_space<hbm>> -> memref<256xi32, #tpu.memory_space<hbm>>
      %dma_start3A_44 = tpu.memref_slice %arg2[%mul3A_2] : memref<8192xi32, #tpu.memory_space<hbm>> -> memref<256xi32, #tpu.memory_space<hbm>>
      tpu.enqueue_dma source(%dma_start3A_44 : memref<256xi32, #tpu.memory_space<hbm>>) target(%arg5 : memref<256xi32, #tpu.memory_space<vmem>>) target_semaphore(%run_scoped3A : memref<!tpu.dma_semaphore, #tpu.memory_space<semaphore_mem>>)
      %dma_wait3A = tpu.memref_slice %arg2[%mul3A_2] : memref<8192xi32, #tpu.memory_space<hbm>> -> memref<256xi32, #tpu.memory_space<hbm>>
      %dma_wait3A_45 = tpu.memref_slice %arg2[%mul3A_2] : memref<8192xi32, #tpu.memory_space<hbm>> -> memref<256xi32, #tpu.memory_space<hbm>>
      tpu.wait_dma2 semaphore(%run_scoped3A : memref<!tpu.dma_semaphore, #tpu.memory_space<semaphore_mem>>) src(%dma_wait3A_45 : memref<256xi32, #tpu.memory_space<hbm>>) dst(%arg5 : memref<256xi32, #tpu.memory_space<vmem>>)
      tpu.yield
    }) : () -> ()
    %broadcast_in_dim3A = arith.constant 0.000000e+00 : f32
    %broadcast_in_dim3A_3 = vector.broadcast %broadcast_in_dim3A : f32 to vector<16xf32>
    %scan3A = arith.constant 0 : i32
    %scan3A_4 = arith.constant 0 : i32
    %scan3A_5 = arith.constant 128 : i32
    %scan3A_6 = arith.addi %scan3A_4, %scan3A_5 : i32
    %scan3A_7 = arith.constant 1 : i32
    scf.for %scan3A_44 = %scan3A_4 to %scan3A_6 step %scan3A_7  : i32 {
      %mul3A_45 = arith.constant 16 : i32
      %mul3A_46 = arith.muli %scan3A_44, %mul3A_45 : i32
      %swap3A = arith.index_cast %mul3A_46 : i32 to index
      %swap3A_47 = tpu.vector_load %arg4[%swap3A] {strides = array<i32>} : memref<2048xf32, #tpu.memory_space<vmem>>, vector<16xf32>,
      tpu.vector_store %arg4[%swap3A], %broadcast_in_dim3A_3 {strides = array<i32>} : memref<2048xf32, #tpu.memory_space<vmem>>, vector<16xf32>,
    }
    %scan3A_8 = arith.constant 128 : i32
    %broadcast_in_dim3A_9 = arith.constant 1.000000e+00 : f32
    %broadcast_in_dim3A_10 = vector.broadcast %broadcast_in_dim3A_9 : f32 to vector<16xf32>
    %get3A = arith.constant 0 : index
    %get3A_11 = tpu.vector_load %arg5[%get3A] {strides = array<i32>} : memref<256xi32, #tpu.memory_space<vmem>>, vector<16xi32>,
    tpu.vector_store_idx %arg4[%get3A_11], %broadcast_in_dim3A_10 : memref<2048xf32, #tpu.memory_space<vmem>>[vector<16xi32>], vector<16xf32>,
    %get3A_12 = arith.constant 16 : index
    %get3A_13 = tpu.vector_load %arg5[%get3A_12] {strides = array<i32>} : memref<256xi32, #tpu.memory_space<vmem>>, vector<16xi32>,
    tpu.vector_store_idx %arg4[%get3A_13], %broadcast_in_dim3A_10 : memref<2048xf32, #tpu.memory_space<vmem>>[vector<16xi32>], vector<16xf32>,
    %get3A_14 = arith.constant 32 : index
    %get3A_15 = tpu.vector_load %arg5[%get3A_14] {strides = array<i32>} : memref<256xi32, #tpu.memory_space<vmem>>, vector<16xi32>,
    tpu.vector_store_idx %arg4[%get3A_15], %broadcast_in_dim3A_10 : memref<2048xf32, #tpu.memory_space<vmem>>[vector<16xi32>], vector<16xf32>,
    %get3A_16 = arith.constant 48 : index
    %get3A_17 = tpu.vector_load %arg5[%get3A_16] {strides = array<i32>} : memref<256xi32, #tpu.memory_space<vmem>>, vector<16xi32>,
    tpu.vector_store_idx %arg4[%get3A_17], %broadcast_in_dim3A_10 : memref<2048xf32, #tpu.memory_space<vmem>>[vector<16xi32>], vector<16xf32>,
    %get3A_18 = arith.constant 64 : index
    %get3A_19 = tpu.vector_load %arg5[%get3A_18] {strides = array<i32>} : memref<256xi32, #tpu.memory_space<vmem>>, vector<16xi32>,
    tpu.vector_store_idx %arg4[%get3A_19], %broadcast_in_dim3A_10 : memref<2048xf32, #tpu.memory_space<vmem>>[vector<16xi32>], vector<16xf32>,
    %get3A_20 = arith.constant 80 : index
    %get3A_21 = tpu.vector_load %arg5[%get3A_20] {strides = array<i32>} : memref<256xi32, #tpu.memory_space<vmem>>, vector<16xi32>,
    tpu.vector_store_idx %arg4[%get3A_21], %broadcast_in_dim3A_10 : memref<2048xf32, #tpu.memory_space<vmem>>[vector<16xi32>], vector<16xf32>,
    %get3A_22 = arith.constant 96 : index
    %get3A_23 = tpu.vector_load %arg5[%get3A_22] {strides = array<i32>} : memref<256xi32, #tpu.memory_space<vmem>>, vector<16xi32>,
    tpu.vector_store_idx %arg4[%get3A_23], %broadcast_in_dim3A_10 : memref<2048xf32, #tpu.memory_space<vmem>>[vector<16xi32>], vector<16xf32>,
    %get3A_24 = arith.constant 112 : index
    %get3A_25 = tpu.vector_load %arg5[%get3A_24] {strides = array<i32>} : memref<256xi32, #tpu.memory_space<vmem>>, vector<16xi32>,
    tpu.vector_store_idx %arg4[%get3A_25], %broadcast_in_dim3A_10 : memref<2048xf32, #tpu.memory_space<vmem>>[vector<16xi32>], vector<16xf32>,
    %get3A_26 = arith.constant 128 : index
    %get3A_27 = tpu.vector_load %arg5[%get3A_26] {strides = array<i32>} : memref<256xi32, #tpu.memory_space<vmem>>, vector<16xi32>,
    tpu.vector_store_idx %arg4[%get3A_27], %broadcast_in_dim3A_10 : memref<2048xf32, #tpu.memory_space<vmem>>[vector<16xi32>], vector<16xf32>,
    %get3A_28 = arith.constant 144 : index
    %get3A_29 = tpu.vector_load %arg5[%get3A_28] {strides = array<i32>} : memref<256xi32, #tpu.memory_space<vmem>>, vector<16xi32>,
    tpu.vector_store_idx %arg4[%get3A_29], %broadcast_in_dim3A_10 : memref<2048xf32, #tpu.memory_space<vmem>>[vector<16xi32>], vector<16xf32>,
    %get3A_30 = arith.constant 160 : index
    %get3A_31 = tpu.vector_load %arg5[%get3A_30] {strides = array<i32>} : memref<256xi32, #tpu.memory_space<vmem>>, vector<16xi32>,
    tpu.vector_store_idx %arg4[%get3A_31], %broadcast_in_dim3A_10 : memref<2048xf32, #tpu.memory_space<vmem>>[vector<16xi32>], vector<16xf32>,
    %get3A_32 = arith.constant 176 : index
    %get3A_33 = tpu.vector_load %arg5[%get3A_32] {strides = array<i32>} : memref<256xi32, #tpu.memory_space<vmem>>, vector<16xi32>,
    tpu.vector_store_idx %arg4[%get3A_33], %broadcast_in_dim3A_10 : memref<2048xf32, #tpu.memory_space<vmem>>[vector<16xi32>], vector<16xf32>,
    %get3A_34 = arith.constant 192 : index
    %get3A_35 = tpu.vector_load %arg5[%get3A_34] {strides = array<i32>} : memref<256xi32, #tpu.memory_space<vmem>>, vector<16xi32>,
    tpu.vector_store_idx %arg4[%get3A_35], %broadcast_in_dim3A_10 : memref<2048xf32, #tpu.memory_space<vmem>>[vector<16xi32>], vector<16xf32>,
    %get3A_36 = arith.constant 208 : index
    %get3A_37 = tpu.vector_load %arg5[%get3A_36] {strides = array<i32>} : memref<256xi32, #tpu.memory_space<vmem>>, vector<16xi32>,
    tpu.vector_store_idx %arg4[%get3A_37], %broadcast_in_dim3A_10 : memref<2048xf32, #tpu.memory_space<vmem>>[vector<16xi32>], vector<16xf32>,
    %get3A_38 = arith.constant 224 : index
    %get3A_39 = tpu.vector_load %arg5[%get3A_38] {strides = array<i32>} : memref<256xi32, #tpu.memory_space<vmem>>, vector<16xi32>,
    tpu.vector_store_idx %arg4[%get3A_39], %broadcast_in_dim3A_10 : memref<2048xf32, #tpu.memory_space<vmem>>[vector<16xi32>], vector<16xf32>,
    %get3A_40 = arith.constant 240 : index
    %get3A_41 = tpu.vector_load %arg5[%get3A_40] {strides = array<i32>} : memref<256xi32, #tpu.memory_space<vmem>>, vector<16xi32>,
    tpu.vector_store_idx %arg4[%get3A_41], %broadcast_in_dim3A_10 : memref<2048xf32, #tpu.memory_space<vmem>>[vector<16xi32>], vector<16xf32>,
    %mul3A_42 = arith.constant 2048 : i32
    %mul3A_43 = arith.muli %add3A, %mul3A_42 : i32
    "tpu.region"() ({
      %run_scoped3A = tpu.sem_alloc : memref<!tpu.dma_semaphore, #tpu.memory_space<semaphore_mem>>
      %dma_start3A = tpu.memref_slice %arg3[%mul3A_43] : memref<65536xf32, #tpu.memory_space<hbm>> -> memref<2048xf32, #tpu.memory_space<hbm>>
      %dma_start3A_44 = tpu.memref_slice %arg3[%mul3A_43] : memref<65536xf32, #tpu.memory_space<hbm>> -> memref<2048xf32, #tpu.memory_space<hbm>>
      tpu.enqueue_dma source(%arg4 : memref<2048xf32, #tpu.memory_space<vmem>>) target(%dma_start3A_44 : memref<2048xf32, #tpu.memory_space<hbm>>) target_semaphore(%run_scoped3A : memref<!tpu.dma_semaphore, #tpu.memory_space<semaphore_mem>>)
      %dma_wait3A = tpu.memref_slice %arg3[%mul3A_43] : memref<65536xf32, #tpu.memory_space<hbm>> -> memref<2048xf32, #tpu.memory_space<hbm>>
      %dma_wait3A_45 = tpu.memref_slice %arg3[%mul3A_43] : memref<65536xf32, #tpu.memory_space<hbm>> -> memref<2048xf32, #tpu.memory_space<hbm>>
      tpu.wait_dma2 semaphore(%run_scoped3A : memref<!tpu.dma_semaphore, #tpu.memory_space<semaphore_mem>>) src(%arg4 : memref<2048xf32, #tpu.memory_space<vmem>>) dst(%dma_wait3A_45 : memref<2048xf32, #tpu.memory_space<hbm>>)
      tpu.yield
    }) : () -> ()
    return
  }
}

module attributes {stable_mosaic.version = 14 : i64} {
  func.func @_qkv_kernel(%arg0: i32, %arg1: memref<2048x2048xbf16, #tpu.memory_space<vmem>>, %arg2: memref<2048x128xbf16, #tpu.memory_space<vmem>>, %arg3: memref<2048x64xf32, #tpu.memory_space<vmem>>, %arg4: memref<2048x64xf32, #tpu.memory_space<vmem>>, %arg5: memref<2048x128xbf16, #tpu.memory_space<vmem>>) attributes {dimension_semantics = [#tpu.dimension_semantics<arbitrary>], iteration_bounds = array<i64: 32>, scalar_prefetch = 0 : i64, scratch_operands = 0 : i64, tpu.core_type = #tpu.core_type<tc>, window_params = [{pipeline_mode = #tpu.pipeline_mode<synchronous>, transform_indices = @transform_0, window_bounds = array<i64: 2048, 2048>}, {transform_indices = @transform_1, window_bounds = array<i64: 2048, 128>}, {pipeline_mode = #tpu.pipeline_mode<synchronous>, transform_indices = @transform_2, window_bounds = array<i64: 2048, 64>}, {pipeline_mode = #tpu.pipeline_mode<synchronous>, transform_indices = @transform_3, window_bounds = array<i64: 2048, 64>}, {transform_indices = @transform_4, window_bounds = array<i64: 2048, 128>}]} {
    %get3A = arith.constant 0 : index
    %get3A_0 = arith.constant 0 : index
    %get3A_1 = vector.load %arg1[%get3A, %get3A_0] : memref<2048x2048xbf16, #tpu.memory_space<vmem>>, vector<2048x2048xbf16>
    %get3A_2 = arith.constant 0 : index
    %get3A_3 = arith.constant 0 : index
    %get3A_4 = vector.load %arg2[%get3A_2, %get3A_3] : memref<2048x128xbf16, #tpu.memory_space<vmem>>, vector<2048x128xbf16>
    %dot_general3A = arith.constant dense<0.000000e+00> : vector<2048x128xf32>
    %dot_general3A_5 = tpu.matmul %get3A_1, %get3A_4, %dot_general3A {dimension_numbers = #tpu.dot_dimension_numbers<[1], [0], [0], [1], [0, 0, 1, 1], [], []>, transpose_lhs_hint = false} : vector<2048x2048xbf16>, vector<2048x128xbf16>, vector<2048x128xf32> -> vector<2048x128xf32>
    %get3A_6 = arith.constant 0 : index
    %get3A_7 = arith.constant 0 : index
    %get3A_8 = vector.load %arg3[%get3A_6, %get3A_7] : memref<2048x64xf32, #tpu.memory_space<vmem>>, vector<2048x64xf32>
    %get3A_9 = arith.constant 0 : index
    %get3A_10 = arith.constant 0 : index
    %get3A_11 = vector.load %arg4[%get3A_9, %get3A_10] : memref<2048x64xf32, #tpu.memory_space<vmem>>, vector<2048x64xf32>
    %slice3A = vector.extract_strided_slice %dot_general3A_5 {offsets = [0, 0], sizes = [2048, 64], strides = [1, 1]} : vector<2048x128xf32> to vector<2048x64xf32>
    %slice3A_12 = vector.extract_strided_slice %dot_general3A_5 {offsets = [0, 64], sizes = [2048, 64], strides = [1, 1]} : vector<2048x128xf32> to vector<2048x64xf32>
    %mul3A = arith.mulf %slice3A, %get3A_8 : vector<2048x64xf32>
    %mul3A_13 = arith.mulf %slice3A_12, %get3A_11 : vector<2048x64xf32>
    %sub3A = arith.subf %mul3A, %mul3A_13 : vector<2048x64xf32>
    %mul3A_14 = arith.mulf %slice3A, %get3A_11 : vector<2048x64xf32>
    %mul3A_15 = arith.mulf %slice3A_12, %get3A_8 : vector<2048x64xf32>
    %add3A = arith.addf %mul3A_14, %mul3A_15 : vector<2048x64xf32>
    %concatenate3A = tpu.concatenate %sub3A, %add3A in 1 : vector<2048x64xf32>, vector<2048x64xf32> -> vector<2048x128xf32>
    %lt3A = arith.constant 24 : i32
    %lt3A_16 = arith.cmpi slt, %arg0, %lt3A : i32
    %select_n3A = arith.select %lt3A_16, %concatenate3A, %dot_general3A_5 : vector<2048x128xf32>
    %convert_element_type3A = arith.truncf %select_n3A : vector<2048x128xf32> to vector<2048x128xbf16>
    %swap3A = arith.constant 0 : index
    %swap3A_17 = arith.constant 0 : index
    %swap3A_18 = vector.load %arg5[%swap3A, %swap3A_17] : memref<2048x128xbf16, #tpu.memory_space<vmem>>, vector<2048x128xbf16>
    tpu.vector_store %arg5[%swap3A, %swap3A_17], %convert_element_type3A {strides = array<i32>} : memref<2048x128xbf16, #tpu.memory_space<vmem>>, vector<2048x128xbf16>,
    return
  }
  func.func @transform_0(%arg0: i32) -> (i32, i32) {
    %c0_i32 = arith.constant 0 : i32
    %c0_i32_0 = arith.constant 0 : i32
    %c0_i32_1 = arith.constant 0 : i32
    return %c0_i32, %c0_i32_0 : i32, i32
  }
  func.func @transform_1(%arg0: i32) -> (i32, i32) {
    %c0_i32 = arith.constant 0 : i32
    %c0_i32_0 = arith.constant 0 : i32
    return %c0_i32, %arg0 : i32, i32
  }
  func.func @transform_2(%arg0: i32) -> (i32, i32) {
    %c0_i32 = arith.constant 0 : i32
    %c0_i32_0 = arith.constant 0 : i32
    %c0_i32_1 = arith.constant 0 : i32
    return %c0_i32, %c0_i32_0 : i32, i32
  }
  func.func @transform_3(%arg0: i32) -> (i32, i32) {
    %c0_i32 = arith.constant 0 : i32
    %c0_i32_0 = arith.constant 0 : i32
    %c0_i32_1 = arith.constant 0 : i32
    return %c0_i32, %c0_i32_0 : i32, i32
  }
  func.func @transform_4(%arg0: i32) -> (i32, i32) {
    %c0_i32 = arith.constant 0 : i32
    %c0_i32_0 = arith.constant 0 : i32
    return %c0_i32, %arg0 : i32, i32
  }
}

module attributes {stable_mosaic.version = 14 : i64} {
  func.func @_attn_kernel(%arg0: i32, %arg1: i32, %arg2: memref<512x128xbf16, #tpu.memory_space<vmem>>, %arg3: memref<2048x128xbf16, #tpu.memory_space<vmem>>, %arg4: memref<2048x128xbf16, #tpu.memory_space<vmem>>, %arg5: memref<1x1x2048xbf16, #tpu.memory_space<vmem>>, %arg6: memref<1x19x128x128xbf16, #tpu.memory_space<vmem>>, %arg7: memref<512x128xbf16, #tpu.memory_space<vmem>>) attributes {dimension_semantics = [#tpu.dimension_semantics<arbitrary>, #tpu.dimension_semantics<arbitrary>], iteration_bounds = array<i64: 16, 4>, scalar_prefetch = 0 : i64, scratch_operands = 0 : i64, tpu.core_type = #tpu.core_type<tc>, window_params = [{transform_indices = @transform_0, window_bounds = array<i64: 512, 128>}, {transform_indices = @transform_1, window_bounds = array<i64: 2048, 128>}, {transform_indices = @transform_2, window_bounds = array<i64: 2048, 128>}, {transform_indices = @transform_3, window_bounds = array<i64: 1, 1, 2048>}, {transform_indices = @transform_4, window_bounds = array<i64: 1, 19, 128, 128>}, {transform_indices = @transform_5, window_bounds = array<i64: 512, 128>}]} {
    %get3A = arith.constant 0 : index
    %get3A_0 = arith.constant 0 : index
    %get3A_1 = vector.load %arg2[%get3A, %get3A_0] : memref<512x128xbf16, #tpu.memory_space<vmem>>, vector<512x128xbf16>
    %iota3A = tpu.iota {dimensions = array<i32: 0>} : vector<512x128xi32>
    %mul3A = arith.constant 512 : i32
    %mul3A_2 = arith.muli %arg1, %mul3A : i32
    %add3A = vector.broadcast %mul3A_2 : i32 to vector<512x128xi32>
    %add3A_3 = arith.addi %iota3A, %add3A : vector<512x128xi32>
    %iota3A_4 = tpu.iota {dimensions = array<i32: 1>} : vector<512x128xi32>
    %sub3A = arith.subi %add3A_3, %iota3A_4 : vector<512x128xi32>
    %broadcast_in_dim3A = arith.constant 0.000000e+00 : f32
    %broadcast_in_dim3A_5 = vector.broadcast %broadcast_in_dim3A : f32 to vector<512x1xf32>
    %broadcast_in_dim3A_6 = arith.constant 0.000000e+00 : f32
    %broadcast_in_dim3A_7 = vector.broadcast %broadcast_in_dim3A_6 : f32 to vector<512x128xf32>
    %while3A = arith.constant 0 : i32
    %while3A_8 = arith.subi %arg1, %while3A : i32
    %while3A_9 = arith.addi %while3A, %while3A_8 : i32
    %while3A_10 = arith.constant 1 : i32
    %while3A_11 = arith.divsi %while3A_8, %while3A_10 : i32
    %while3A_12 = arith.muli %while3A_11, %while3A_10 : i32
    %while3A_13 = arith.addi %while3A, %while3A_12 : i32
    %while3A_14 = arith.constant 1 : i32
    %while3A_15:2 = scf.for %while3A_257 = %while3A to %while3A_13 step %while3A_14 iter_args(%while3A_258 = %broadcast_in_dim3A_5, %while3A_259 = %broadcast_in_dim3A_7) -> (vector<512x1xf32>, vector<512x128xf32>)  : i32 {
      %mul3A_260 = arith.constant 4 : i32
      %mul3A_261 = arith.muli %mul3A_260, %while3A_257 : i32
      %add3A_262 = arith.constant 0 : i32
      %add3A_263 = arith.addi %mul3A_261, %add3A_262 : i32
      %mul3A_264 = arith.constant 128 : i32
      %mul3A_265 = arith.muli %add3A_263, %mul3A_264 : i32
      %get3A_266 = arith.index_cast %mul3A_265 : i32 to index
      %get3A_267 = arith.constant 0 : index
      %get3A_268 = vector.load %arg3[%get3A_266, %get3A_267] : memref<2048x128xbf16, #tpu.memory_space<vmem>>, vector<128x128xbf16>
      %mul3A_269 = arith.constant 128 : i32
      %mul3A_270 = arith.muli %add3A_263, %mul3A_269 : i32
      %get3A_271 = arith.index_cast %mul3A_270 : i32 to index
      %get3A_272 = arith.constant 0 : index
      %get3A_273 = vector.load %arg4[%get3A_271, %get3A_272] : memref<2048x128xbf16, #tpu.memory_space<vmem>>, vector<128x128xbf16>
      %dot_general3A_274 = arith.constant dense<0.000000e+00> : vector<512x128xf32>
      %dot_general3A_275 = tpu.matmul %get3A_1, %get3A_268, %dot_general3A_274 {dimension_numbers = #tpu.dot_dimension_numbers<[1], [1], [0], [0], [0, 0, 1, 0], [], []>, transpose_lhs_hint = false} : vector<512x128xbf16>, vector<128x128xbf16>, vector<512x128xf32> -> vector<512x128xf32>
      %mul3A_276 = arith.constant 4 : i32
      %mul3A_277 = arith.muli %mul3A_276, %arg1 : i32
      %sub3A_278 = arith.subi %mul3A_277, %add3A_263 : i32
      %add3A_279 = arith.constant 4 : i32
      %add3A_280 = arith.addi %sub3A_278, %add3A_279 : i32
      %sub3A_281 = arith.constant 1 : i32
      %sub3A_282 = arith.subi %add3A_280, %sub3A_281 : i32
      %get3A_283 = arith.constant 0 : index
      %get3A_284 = arith.index_cast %sub3A_282 : i32 to index
      %get3A_285 = arith.constant 0 : index
      %get3A_286 = arith.constant 0 : index
      %get3A_287 = vector.load %arg6[%get3A_283, %get3A_284, %get3A_285, %get3A_286] : memref<1x19x128x128xbf16, #tpu.memory_space<vmem>>, vector<1x4x128x128xbf16>
      %get3A_288 = vector.shape_cast %get3A_287 : vector<1x4x128x128xbf16> to vector<4x128x128xbf16>
      %reshape3A_289 = vector.shape_cast %get3A_288 : vector<4x128x128xbf16> to vector<512x128xbf16>
      %mul3A_290 = arith.constant 128 : i32
      %mul3A_291 = arith.muli %add3A_263, %mul3A_290 : i32
      %get3A_292 = arith.constant 0 : index
      %get3A_293 = arith.constant 0 : index
      %get3A_294 = arith.index_cast %mul3A_291 : i32 to index
      %get3A_295 = vector.load %arg5[%get3A_292, %get3A_293, %get3A_294] : memref<1x1x2048xbf16, #tpu.memory_space<vmem>>, vector<1x1x128xbf16>
      %get3A_296 = vector.shape_cast %get3A_295 : vector<1x1x128xbf16> to vector<128xbf16>
      %broadcast_in_dim3A_297 = vector.shape_cast %get3A_296 : vector<128xbf16> to vector<1x128xbf16>
      %add3A_298 = vector.broadcast %broadcast_in_dim3A_297 : vector<1x128xbf16> to vector<512x128xbf16>
      %add3A_299 = arith.addf %reshape3A_289, %add3A_298 : vector<512x128xbf16>
      %min3A_300 = arith.constant 1.000000e+00 : bf16
      %min3A_301 = vector.broadcast %min3A_300 : bf16 to vector<512x128xbf16>
      %min3A_302 = arith.minimumf %add3A_299, %min3A_301 : vector<512x128xbf16>
      %convert_element_type3A_303 = arith.extf %min3A_302 : vector<512x128xbf16> to vector<512x128xf32>
      %exp3A_304 = math.exp %dot_general3A_275 : vector<512x128xf32>
      %mul3A_305 = arith.mulf %exp3A_304, %convert_element_type3A_303 : vector<512x128xf32>
      %reduce_sum3A_306 = arith.constant dense<0.000000e+00> : vector<512xf32>
      %reduce_sum3A_307 = vector.multi_reduction <add>, %mul3A_305, %reduce_sum3A_306 [1] : vector<512x128xf32> to vector<512xf32>
      %broadcast_in_dim3A_308 = vector.shape_cast %reduce_sum3A_307 : vector<512xf32> to vector<512x1xf32>
      %add3A_309 = arith.addf %while3A_258, %broadcast_in_dim3A_308 : vector<512x1xf32>
      %convert_element_type3A_310 = arith.truncf %mul3A_305 : vector<512x128xf32> to vector<512x128xbf16>
      %dot_general3A_311 = arith.constant dense<0.000000e+00> : vector<512x128xf32>
      %dot_general3A_312 = tpu.matmul %convert_element_type3A_310, %get3A_273, %dot_general3A_311 {dimension_numbers = #tpu.dot_dimension_numbers<[1], [0], [0], [1], [0, 0, 1, 1], [], []>, transpose_lhs_hint = false} : vector<512x128xbf16>, vector<128x128xbf16>, vector<512x128xf32> -> vector<512x128xf32>
      %add3A_313 = arith.addf %while3A_259, %dot_general3A_312 : vector<512x128xf32>
      %mul3A_314 = arith.constant 4 : i32
      %mul3A_315 = arith.muli %mul3A_314, %while3A_257 : i32
      %add3A_316 = arith.constant 1 : i32
      %add3A_317 = arith.addi %mul3A_315, %add3A_316 : i32
      %mul3A_318 = arith.constant 128 : i32
      %mul3A_319 = arith.muli %add3A_317, %mul3A_318 : i32
      %get3A_320 = arith.index_cast %mul3A_319 : i32 to index
      %get3A_321 = arith.constant 0 : index
      %get3A_322 = vector.load %arg3[%get3A_320, %get3A_321] : memref<2048x128xbf16, #tpu.memory_space<vmem>>, vector<128x128xbf16>
      %mul3A_323 = arith.constant 128 : i32
      %mul3A_324 = arith.muli %add3A_317, %mul3A_323 : i32
      %get3A_325 = arith.index_cast %mul3A_324 : i32 to index
      %get3A_326 = arith.constant 0 : index
      %get3A_327 = vector.load %arg4[%get3A_325, %get3A_326] : memref<2048x128xbf16, #tpu.memory_space<vmem>>, vector<128x128xbf16>
      %dot_general3A_328 = arith.constant dense<0.000000e+00> : vector<512x128xf32>
      %dot_general3A_329 = tpu.matmul %get3A_1, %get3A_322, %dot_general3A_328 {dimension_numbers = #tpu.dot_dimension_numbers<[1], [1], [0], [0], [0, 0, 1, 0], [], []>, transpose_lhs_hint = false} : vector<512x128xbf16>, vector<128x128xbf16>, vector<512x128xf32> -> vector<512x128xf32>
      %mul3A_330 = arith.constant 4 : i32
      %mul3A_331 = arith.muli %mul3A_330, %arg1 : i32
      %sub3A_332 = arith.subi %mul3A_331, %add3A_317 : i32
      %add3A_333 = arith.constant 4 : i32
      %add3A_334 = arith.addi %sub3A_332, %add3A_333 : i32
      %sub3A_335 = arith.constant 1 : i32
      %sub3A_336 = arith.subi %add3A_334, %sub3A_335 : i32
      %get3A_337 = arith.constant 0 : index
      %get3A_338 = arith.index_cast %sub3A_336 : i32 to index
      %get3A_339 = arith.constant 0 : index
      %get3A_340 = arith.constant 0 : index
      %get3A_341 = vector.load %arg6[%get3A_337, %get3A_338, %get3A_339, %get3A_340] : memref<1x19x128x128xbf16, #tpu.memory_space<vmem>>, vector<1x4x128x128xbf16>
      %get3A_342 = vector.shape_cast %get3A_341 : vector<1x4x128x128xbf16> to vector<4x128x128xbf16>
      %reshape3A_343 = vector.shape_cast %get3A_342 : vector<4x128x128xbf16> to vector<512x128xbf16>
      %mul3A_344 = arith.constant 128 : i32
      %mul3A_345 = arith.muli %add3A_317, %mul3A_344 : i32
      %get3A_346 = arith.constant 0 : index
      %get3A_347 = arith.constant 0 : index
      %get3A_348 = arith.index_cast %mul3A_345 : i32 to index
      %get3A_349 = vector.load %arg5[%get3A_346, %get3A_347, %get3A_348] : memref<1x1x2048xbf16, #tpu.memory_space<vmem>>, vector<1x1x128xbf16>
      %get3A_350 = vector.shape_cast %get3A_349 : vector<1x1x128xbf16> to vector<128xbf16>
      %broadcast_in_dim3A_351 = vector.shape_cast %get3A_350 : vector<128xbf16> to vector<1x128xbf16>
      %add3A_352 = vector.broadcast %broadcast_in_dim3A_351 : vector<1x128xbf16> to vector<512x128xbf16>
      %add3A_353 = arith.addf %reshape3A_343, %add3A_352 : vector<512x128xbf16>
      %min3A_354 = arith.constant 1.000000e+00 : bf16
      %min3A_355 = vector.broadcast %min3A_354 : bf16 to vector<512x128xbf16>
      %min3A_356 = arith.minimumf %add3A_353, %min3A_355 : vector<512x128xbf16>
      %convert_element_type3A_357 = arith.extf %min3A_356 : vector<512x128xbf16> to vector<512x128xf32>
      %exp3A_358 = math.exp %dot_general3A_329 : vector<512x128xf32>
      %mul3A_359 = arith.mulf %exp3A_358, %convert_element_type3A_357 : vector<512x128xf32>
      %reduce_sum3A_360 = arith.constant dense<0.000000e+00> : vector<512xf32>
      %reduce_sum3A_361 = vector.multi_reduction <add>, %mul3A_359, %reduce_sum3A_360 [1] : vector<512x128xf32> to vector<512xf32>
      %broadcast_in_dim3A_362 = vector.shape_cast %reduce_sum3A_361 : vector<512xf32> to vector<512x1xf32>
      %add3A_363 = arith.addf %add3A_309, %broadcast_in_dim3A_362 : vector<512x1xf32>
      %convert_element_type3A_364 = arith.truncf %mul3A_359 : vector<512x128xf32> to vector<512x128xbf16>
      %dot_general3A_365 = arith.constant dense<0.000000e+00> : vector<512x128xf32>
      %dot_general3A_366 = tpu.matmul %convert_element_type3A_364, %get3A_327, %dot_general3A_365 {dimension_numbers = #tpu.dot_dimension_numbers<[1], [0], [0], [1], [0, 0, 1, 1], [], []>, transpose_lhs_hint = false} : vector<512x128xbf16>, vector<128x128xbf16>, vector<512x128xf32> -> vector<512x128xf32>
      %add3A_367 = arith.addf %add3A_313, %dot_general3A_366 : vector<512x128xf32>
      %mul3A_368 = arith.constant 4 : i32
      %mul3A_369 = arith.muli %mul3A_368, %while3A_257 : i32
      %add3A_370 = arith.constant 2 : i32
      %add3A_371 = arith.addi %mul3A_369, %add3A_370 : i32
      %mul3A_372 = arith.constant 128 : i32
      %mul3A_373 = arith.muli %add3A_371, %mul3A_372 : i32
      %get3A_374 = arith.index_cast %mul3A_373 : i32 to index
      %get3A_375 = arith.constant 0 : index
      %get3A_376 = vector.load %arg3[%get3A_374, %get3A_375] : memref<2048x128xbf16, #tpu.memory_space<vmem>>, vector<128x128xbf16>
      %mul3A_377 = arith.constant 128 : i32
      %mul3A_378 = arith.muli %add3A_371, %mul3A_377 : i32
      %get3A_379 = arith.index_cast %mul3A_378 : i32 to index
      %get3A_380 = arith.constant 0 : index
      %get3A_381 = vector.load %arg4[%get3A_379, %get3A_380] : memref<2048x128xbf16, #tpu.memory_space<vmem>>, vector<128x128xbf16>
      %dot_general3A_382 = arith.constant dense<0.000000e+00> : vector<512x128xf32>
      %dot_general3A_383 = tpu.matmul %get3A_1, %get3A_376, %dot_general3A_382 {dimension_numbers = #tpu.dot_dimension_numbers<[1], [1], [0], [0], [0, 0, 1, 0], [], []>, transpose_lhs_hint = false} : vector<512x128xbf16>, vector<128x128xbf16>, vector<512x128xf32> -> vector<512x128xf32>
      %mul3A_384 = arith.constant 4 : i32
      %mul3A_385 = arith.muli %mul3A_384, %arg1 : i32
      %sub3A_386 = arith.subi %mul3A_385, %add3A_371 : i32
      %add3A_387 = arith.constant 4 : i32
      %add3A_388 = arith.addi %sub3A_386, %add3A_387 : i32
      %sub3A_389 = arith.constant 1 : i32
      %sub3A_390 = arith.subi %add3A_388, %sub3A_389 : i32
      %get3A_391 = arith.constant 0 : index
      %get3A_392 = arith.index_cast %sub3A_390 : i32 to index
      %get3A_393 = arith.constant 0 : index
      %get3A_394 = arith.constant 0 : index
      %get3A_395 = vector.load %arg6[%get3A_391, %get3A_392, %get3A_393, %get3A_394] : memref<1x19x128x128xbf16, #tpu.memory_space<vmem>>, vector<1x4x128x128xbf16>
      %get3A_396 = vector.shape_cast %get3A_395 : vector<1x4x128x128xbf16> to vector<4x128x128xbf16>
      %reshape3A_397 = vector.shape_cast %get3A_396 : vector<4x128x128xbf16> to vector<512x128xbf16>
      %mul3A_398 = arith.constant 128 : i32
      %mul3A_399 = arith.muli %add3A_371, %mul3A_398 : i32
      %get3A_400 = arith.constant 0 : index
      %get3A_401 = arith.constant 0 : index
      %get3A_402 = arith.index_cast %mul3A_399 : i32 to index
      %get3A_403 = vector.load %arg5[%get3A_400, %get3A_401, %get3A_402] : memref<1x1x2048xbf16, #tpu.memory_space<vmem>>, vector<1x1x128xbf16>
      %get3A_404 = vector.shape_cast %get3A_403 : vector<1x1x128xbf16> to vector<128xbf16>
      %broadcast_in_dim3A_405 = vector.shape_cast %get3A_404 : vector<128xbf16> to vector<1x128xbf16>
      %add3A_406 = vector.broadcast %broadcast_in_dim3A_405 : vector<1x128xbf16> to vector<512x128xbf16>
      %add3A_407 = arith.addf %reshape3A_397, %add3A_406 : vector<512x128xbf16>
      %min3A_408 = arith.constant 1.000000e+00 : bf16
      %min3A_409 = vector.broadcast %min3A_408 : bf16 to vector<512x128xbf16>
      %min3A_410 = arith.minimumf %add3A_407, %min3A_409 : vector<512x128xbf16>
      %convert_element_type3A_411 = arith.extf %min3A_410 : vector<512x128xbf16> to vector<512x128xf32>
      %exp3A_412 = math.exp %dot_general3A_383 : vector<512x128xf32>
      %mul3A_413 = arith.mulf %exp3A_412, %convert_element_type3A_411 : vector<512x128xf32>
      %reduce_sum3A_414 = arith.constant dense<0.000000e+00> : vector<512xf32>
      %reduce_sum3A_415 = vector.multi_reduction <add>, %mul3A_413, %reduce_sum3A_414 [1] : vector<512x128xf32> to vector<512xf32>
      %broadcast_in_dim3A_416 = vector.shape_cast %reduce_sum3A_415 : vector<512xf32> to vector<512x1xf32>
      %add3A_417 = arith.addf %add3A_363, %broadcast_in_dim3A_416 : vector<512x1xf32>
      %convert_element_type3A_418 = arith.truncf %mul3A_413 : vector<512x128xf32> to vector<512x128xbf16>
      %dot_general3A_419 = arith.constant dense<0.000000e+00> : vector<512x128xf32>
      %dot_general3A_420 = tpu.matmul %convert_element_type3A_418, %get3A_381, %dot_general3A_419 {dimension_numbers = #tpu.dot_dimension_numbers<[1], [0], [0], [1], [0, 0, 1, 1], [], []>, transpose_lhs_hint = false} : vector<512x128xbf16>, vector<128x128xbf16>, vector<512x128xf32> -> vector<512x128xf32>
      %add3A_421 = arith.addf %add3A_367, %dot_general3A_420 : vector<512x128xf32>
      %mul3A_422 = arith.constant 4 : i32
      %mul3A_423 = arith.muli %mul3A_422, %while3A_257 : i32
      %add3A_424 = arith.constant 3 : i32
      %add3A_425 = arith.addi %mul3A_423, %add3A_424 : i32
      %mul3A_426 = arith.constant 128 : i32
      %mul3A_427 = arith.muli %add3A_425, %mul3A_426 : i32
      %get3A_428 = arith.index_cast %mul3A_427 : i32 to index
      %get3A_429 = arith.constant 0 : index
      %get3A_430 = vector.load %arg3[%get3A_428, %get3A_429] : memref<2048x128xbf16, #tpu.memory_space<vmem>>, vector<128x128xbf16>
      %mul3A_431 = arith.constant 128 : i32
      %mul3A_432 = arith.muli %add3A_425, %mul3A_431 : i32
      %get3A_433 = arith.index_cast %mul3A_432 : i32 to index
      %get3A_434 = arith.constant 0 : index
      %get3A_435 = vector.load %arg4[%get3A_433, %get3A_434] : memref<2048x128xbf16, #tpu.memory_space<vmem>>, vector<128x128xbf16>
      %dot_general3A_436 = arith.constant dense<0.000000e+00> : vector<512x128xf32>
      %dot_general3A_437 = tpu.matmul %get3A_1, %get3A_430, %dot_general3A_436 {dimension_numbers = #tpu.dot_dimension_numbers<[1], [1], [0], [0], [0, 0, 1, 0], [], []>, transpose_lhs_hint = false} : vector<512x128xbf16>, vector<128x128xbf16>, vector<512x128xf32> -> vector<512x128xf32>
      %mul3A_438 = arith.constant 4 : i32
      %mul3A_439 = arith.muli %mul3A_438, %arg1 : i32
      %sub3A_440 = arith.subi %mul3A_439, %add3A_425 : i32
      %add3A_441 = arith.constant 4 : i32
      %add3A_442 = arith.addi %sub3A_440, %add3A_441 : i32
      %sub3A_443 = arith.constant 1 : i32
      %sub3A_444 = arith.subi %add3A_442, %sub3A_443 : i32
      %get3A_445 = arith.constant 0 : index
      %get3A_446 = arith.index_cast %sub3A_444 : i32 to index
      %get3A_447 = arith.constant 0 : index
      %get3A_448 = arith.constant 0 : index
      %get3A_449 = vector.load %arg6[%get3A_445, %get3A_446, %get3A_447, %get3A_448] : memref<1x19x128x128xbf16, #tpu.memory_space<vmem>>, vector<1x4x128x128xbf16>
      %get3A_450 = vector.shape_cast %get3A_449 : vector<1x4x128x128xbf16> to vector<4x128x128xbf16>
      %reshape3A_451 = vector.shape_cast %get3A_450 : vector<4x128x128xbf16> to vector<512x128xbf16>
      %mul3A_452 = arith.constant 128 : i32
      %mul3A_453 = arith.muli %add3A_425, %mul3A_452 : i32
      %get3A_454 = arith.constant 0 : index
      %get3A_455 = arith.constant 0 : index
      %get3A_456 = arith.index_cast %mul3A_453 : i32 to index
      %get3A_457 = vector.load %arg5[%get3A_454, %get3A_455, %get3A_456] : memref<1x1x2048xbf16, #tpu.memory_space<vmem>>, vector<1x1x128xbf16>
      %get3A_458 = vector.shape_cast %get3A_457 : vector<1x1x128xbf16> to vector<128xbf16>
      %broadcast_in_dim3A_459 = vector.shape_cast %get3A_458 : vector<128xbf16> to vector<1x128xbf16>
      %add3A_460 = vector.broadcast %broadcast_in_dim3A_459 : vector<1x128xbf16> to vector<512x128xbf16>
      %add3A_461 = arith.addf %reshape3A_451, %add3A_460 : vector<512x128xbf16>
      %min3A_462 = arith.constant 1.000000e+00 : bf16
      %min3A_463 = vector.broadcast %min3A_462 : bf16 to vector<512x128xbf16>
      %min3A_464 = arith.minimumf %add3A_461, %min3A_463 : vector<512x128xbf16>
      %convert_element_type3A_465 = arith.extf %min3A_464 : vector<512x128xbf16> to vector<512x128xf32>
      %exp3A_466 = math.exp %dot_general3A_437 : vector<512x128xf32>
      %mul3A_467 = arith.mulf %exp3A_466, %convert_element_type3A_465 : vector<512x128xf32>
      %reduce_sum3A_468 = arith.constant dense<0.000000e+00> : vector<512xf32>
      %reduce_sum3A_469 = vector.multi_reduction <add>, %mul3A_467, %reduce_sum3A_468 [1] : vector<512x128xf32> to vector<512xf32>
      %broadcast_in_dim3A_470 = vector.shape_cast %reduce_sum3A_469 : vector<512xf32> to vector<512x1xf32>
      %add3A_471 = arith.addf %add3A_417, %broadcast_in_dim3A_470 : vector<512x1xf32>
      %convert_element_type3A_472 = arith.truncf %mul3A_467 : vector<512x128xf32> to vector<512x128xbf16>
      %dot_general3A_473 = arith.constant dense<0.000000e+00> : vector<512x128xf32>
      %dot_general3A_474 = tpu.matmul %convert_element_type3A_472, %get3A_435, %dot_general3A_473 {dimension_numbers = #tpu.dot_dimension_numbers<[1], [0], [0], [1], [0, 0, 1, 1], [], []>, transpose_lhs_hint = false} : vector<512x128xbf16>, vector<128x128xbf16>, vector<512x128xf32> -> vector<512x128xf32>
      %add3A_475 = arith.addf %add3A_421, %dot_general3A_474 : vector<512x128xf32>
      scf.yield %add3A_471, %add3A_475 : vector<512x1xf32>, vector<512x128xf32>
    }
    %while3A_16 = arith.constant 1 : i32
    %while3A_17:2 = scf.for %while3A_257 = %while3A_13 to %while3A_9 step %while3A_16 iter_args(%while3A_258 = %while3A_15#0, %while3A_259 = %while3A_15#1) -> (vector<512x1xf32>, vector<512x128xf32>)  : i32 {
      %mul3A_260 = arith.constant 4 : i32
      %mul3A_261 = arith.muli %mul3A_260, %while3A_257 : i32
      %add3A_262 = arith.constant 0 : i32
      %add3A_263 = arith.addi %mul3A_261, %add3A_262 : i32
      %mul3A_264 = arith.constant 128 : i32
      %mul3A_265 = arith.muli %add3A_263, %mul3A_264 : i32
      %get3A_266 = arith.index_cast %mul3A_265 : i32 to index
      %get3A_267 = arith.constant 0 : index
      %get3A_268 = vector.load %arg3[%get3A_266, %get3A_267] : memref<2048x128xbf16, #tpu.memory_space<vmem>>, vector<128x128xbf16>
      %mul3A_269 = arith.constant 128 : i32
      %mul3A_270 = arith.muli %add3A_263, %mul3A_269 : i32
      %get3A_271 = arith.index_cast %mul3A_270 : i32 to index
      %get3A_272 = arith.constant 0 : index
      %get3A_273 = vector.load %arg4[%get3A_271, %get3A_272] : memref<2048x128xbf16, #tpu.memory_space<vmem>>, vector<128x128xbf16>
      %dot_general3A_274 = arith.constant dense<0.000000e+00> : vector<512x128xf32>
      %dot_general3A_275 = tpu.matmul %get3A_1, %get3A_268, %dot_general3A_274 {dimension_numbers = #tpu.dot_dimension_numbers<[1], [1], [0], [0], [0, 0, 1, 0], [], []>, transpose_lhs_hint = false} : vector<512x128xbf16>, vector<128x128xbf16>, vector<512x128xf32> -> vector<512x128xf32>
      %mul3A_276 = arith.constant 4 : i32
      %mul3A_277 = arith.muli %mul3A_276, %arg1 : i32
      %sub3A_278 = arith.subi %mul3A_277, %add3A_263 : i32
      %add3A_279 = arith.constant 4 : i32
      %add3A_280 = arith.addi %sub3A_278, %add3A_279 : i32
      %sub3A_281 = arith.constant 1 : i32
      %sub3A_282 = arith.subi %add3A_280, %sub3A_281 : i32
      %get3A_283 = arith.constant 0 : index
      %get3A_284 = arith.index_cast %sub3A_282 : i32 to index
      %get3A_285 = arith.constant 0 : index
      %get3A_286 = arith.constant 0 : index
      %get3A_287 = vector.load %arg6[%get3A_283, %get3A_284, %get3A_285, %get3A_286] : memref<1x19x128x128xbf16, #tpu.memory_space<vmem>>, vector<1x4x128x128xbf16>
      %get3A_288 = vector.shape_cast %get3A_287 : vector<1x4x128x128xbf16> to vector<4x128x128xbf16>
      %reshape3A_289 = vector.shape_cast %get3A_288 : vector<4x128x128xbf16> to vector<512x128xbf16>
      %mul3A_290 = arith.constant 128 : i32
      %mul3A_291 = arith.muli %add3A_263, %mul3A_290 : i32
      %get3A_292 = arith.constant 0 : index
      %get3A_293 = arith.constant 0 : index
      %get3A_294 = arith.index_cast %mul3A_291 : i32 to index
      %get3A_295 = vector.load %arg5[%get3A_292, %get3A_293, %get3A_294] : memref<1x1x2048xbf16, #tpu.memory_space<vmem>>, vector<1x1x128xbf16>
      %get3A_296 = vector.shape_cast %get3A_295 : vector<1x1x128xbf16> to vector<128xbf16>
      %broadcast_in_dim3A_297 = vector.shape_cast %get3A_296 : vector<128xbf16> to vector<1x128xbf16>
      %add3A_298 = vector.broadcast %broadcast_in_dim3A_297 : vector<1x128xbf16> to vector<512x128xbf16>
      %add3A_299 = arith.addf %reshape3A_289, %add3A_298 : vector<512x128xbf16>
      %min3A_300 = arith.constant 1.000000e+00 : bf16
      %min3A_301 = vector.broadcast %min3A_300 : bf16 to vector<512x128xbf16>
      %min3A_302 = arith.minimumf %add3A_299, %min3A_301 : vector<512x128xbf16>
      %convert_element_type3A_303 = arith.extf %min3A_302 : vector<512x128xbf16> to vector<512x128xf32>
      %exp3A_304 = math.exp %dot_general3A_275 : vector<512x128xf32>
      %mul3A_305 = arith.mulf %exp3A_304, %convert_element_type3A_303 : vector<512x128xf32>
      %reduce_sum3A_306 = arith.constant dense<0.000000e+00> : vector<512xf32>
      %reduce_sum3A_307 = vector.multi_reduction <add>, %mul3A_305, %reduce_sum3A_306 [1] : vector<512x128xf32> to vector<512xf32>
      %broadcast_in_dim3A_308 = vector.shape_cast %reduce_sum3A_307 : vector<512xf32> to vector<512x1xf32>
      %add3A_309 = arith.addf %while3A_258, %broadcast_in_dim3A_308 : vector<512x1xf32>
      %convert_element_type3A_310 = arith.truncf %mul3A_305 : vector<512x128xf32> to vector<512x128xbf16>
      %dot_general3A_311 = arith.constant dense<0.000000e+00> : vector<512x128xf32>
      %dot_general3A_312 = tpu.matmul %convert_element_type3A_310, %get3A_273, %dot_general3A_311 {dimension_numbers = #tpu.dot_dimension_numbers<[1], [0], [0], [1], [0, 0, 1, 1], [], []>, transpose_lhs_hint = false} : vector<512x128xbf16>, vector<128x128xbf16>, vector<512x128xf32> -> vector<512x128xf32>
      %add3A_313 = arith.addf %while3A_259, %dot_general3A_312 : vector<512x128xf32>
      %mul3A_314 = arith.constant 4 : i32
      %mul3A_315 = arith.muli %mul3A_314, %while3A_257 : i32
      %add3A_316 = arith.constant 1 : i32
      %add3A_317 = arith.addi %mul3A_315, %add3A_316 : i32
      %mul3A_318 = arith.constant 128 : i32
      %mul3A_319 = arith.muli %add3A_317, %mul3A_318 : i32
      %get3A_320 = arith.index_cast %mul3A_319 : i32 to index
      %get3A_321 = arith.constant 0 : index
      %get3A_322 = vector.load %arg3[%get3A_320, %get3A_321] : memref<2048x128xbf16, #tpu.memory_space<vmem>>, vector<128x128xbf16>
      %mul3A_323 = arith.constant 128 : i32
      %mul3A_324 = arith.muli %add3A_317, %mul3A_323 : i32
      %get3A_325 = arith.index_cast %mul3A_324 : i32 to index
      %get3A_326 = arith.constant 0 : index
      %get3A_327 = vector.load %arg4[%get3A_325, %get3A_326] : memref<2048x128xbf16, #tpu.memory_space<vmem>>, vector<128x128xbf16>
      %dot_general3A_328 = arith.constant dense<0.000000e+00> : vector<512x128xf32>
      %dot_general3A_329 = tpu.matmul %get3A_1, %get3A_322, %dot_general3A_328 {dimension_numbers = #tpu.dot_dimension_numbers<[1], [1], [0], [0], [0, 0, 1, 0], [], []>, transpose_lhs_hint = false} : vector<512x128xbf16>, vector<128x128xbf16>, vector<512x128xf32> -> vector<512x128xf32>
      %mul3A_330 = arith.constant 4 : i32
      %mul3A_331 = arith.muli %mul3A_330, %arg1 : i32
      %sub3A_332 = arith.subi %mul3A_331, %add3A_317 : i32
      %add3A_333 = arith.constant 4 : i32
      %add3A_334 = arith.addi %sub3A_332, %add3A_333 : i32
      %sub3A_335 = arith.constant 1 : i32
      %sub3A_336 = arith.subi %add3A_334, %sub3A_335 : i32
      %get3A_337 = arith.constant 0 : index
      %get3A_338 = arith.index_cast %sub3A_336 : i32 to index
      %get3A_339 = arith.constant 0 : index
      %get3A_340 = arith.constant 0 : index
      %get3A_341 = vector.load %arg6[%get3A_337, %get3A_338, %get3A_339, %get3A_340] : memref<1x19x128x128xbf16, #tpu.memory_space<vmem>>, vector<1x4x128x128xbf16>
      %get3A_342 = vector.shape_cast %get3A_341 : vector<1x4x128x128xbf16> to vector<4x128x128xbf16>
      %reshape3A_343 = vector.shape_cast %get3A_342 : vector<4x128x128xbf16> to vector<512x128xbf16>
      %mul3A_344 = arith.constant 128 : i32
      %mul3A_345 = arith.muli %add3A_317, %mul3A_344 : i32
      %get3A_346 = arith.constant 0 : index
      %get3A_347 = arith.constant 0 : index
      %get3A_348 = arith.index_cast %mul3A_345 : i32 to index
      %get3A_349 = vector.load %arg5[%get3A_346, %get3A_347, %get3A_348] : memref<1x1x2048xbf16, #tpu.memory_space<vmem>>, vector<1x1x128xbf16>
      %get3A_350 = vector.shape_cast %get3A_349 : vector<1x1x128xbf16> to vector<128xbf16>
      %broadcast_in_dim3A_351 = vector.shape_cast %get3A_350 : vector<128xbf16> to vector<1x128xbf16>
      %add3A_352 = vector.broadcast %broadcast_in_dim3A_351 : vector<1x128xbf16> to vector<512x128xbf16>
      %add3A_353 = arith.addf %reshape3A_343, %add3A_352 : vector<512x128xbf16>
      %min3A_354 = arith.constant 1.000000e+00 : bf16
      %min3A_355 = vector.broadcast %min3A_354 : bf16 to vector<512x128xbf16>
      %min3A_356 = arith.minimumf %add3A_353, %min3A_355 : vector<512x128xbf16>
      %convert_element_type3A_357 = arith.extf %min3A_356 : vector<512x128xbf16> to vector<512x128xf32>
      %exp3A_358 = math.exp %dot_general3A_329 : vector<512x128xf32>
      %mul3A_359 = arith.mulf %exp3A_358, %convert_element_type3A_357 : vector<512x128xf32>
      %reduce_sum3A_360 = arith.constant dense<0.000000e+00> : vector<512xf32>
      %reduce_sum3A_361 = vector.multi_reduction <add>, %mul3A_359, %reduce_sum3A_360 [1] : vector<512x128xf32> to vector<512xf32>
      %broadcast_in_dim3A_362 = vector.shape_cast %reduce_sum3A_361 : vector<512xf32> to vector<512x1xf32>
      %add3A_363 = arith.addf %add3A_309, %broadcast_in_dim3A_362 : vector<512x1xf32>
      %convert_element_type3A_364 = arith.truncf %mul3A_359 : vector<512x128xf32> to vector<512x128xbf16>
      %dot_general3A_365 = arith.constant dense<0.000000e+00> : vector<512x128xf32>
      %dot_general3A_366 = tpu.matmul %convert_element_type3A_364, %get3A_327, %dot_general3A_365 {dimension_numbers = #tpu.dot_dimension_numbers<[1], [0], [0], [1], [0, 0, 1, 1], [], []>, transpose_lhs_hint = false} : vector<512x128xbf16>, vector<128x128xbf16>, vector<512x128xf32> -> vector<512x128xf32>
      %add3A_367 = arith.addf %add3A_313, %dot_general3A_366 : vector<512x128xf32>
      %mul3A_368 = arith.constant 4 : i32
      %mul3A_369 = arith.muli %mul3A_368, %while3A_257 : i32
      %add3A_370 = arith.constant 2 : i32
      %add3A_371 = arith.addi %mul3A_369, %add3A_370 : i32
      %mul3A_372 = arith.constant 128 : i32
      %mul3A_373 = arith.muli %add3A_371, %mul3A_372 : i32
      %get3A_374 = arith.index_cast %mul3A_373 : i32 to index
      %get3A_375 = arith.constant 0 : index
      %get3A_376 = vector.load %arg3[%get3A_374, %get3A_375] : memref<2048x128xbf16, #tpu.memory_space<vmem>>, vector<128x128xbf16>
      %mul3A_377 = arith.constant 128 : i32
      %mul3A_378 = arith.muli %add3A_371, %mul3A_377 : i32
      %get3A_379 = arith.index_cast %mul3A_378 : i32 to index
      %get3A_380 = arith.constant 0 : index
      %get3A_381 = vector.load %arg4[%get3A_379, %get3A_380] : memref<2048x128xbf16, #tpu.memory_space<vmem>>, vector<128x128xbf16>
      %dot_general3A_382 = arith.constant dense<0.000000e+00> : vector<512x128xf32>
      %dot_general3A_383 = tpu.matmul %get3A_1, %get3A_376, %dot_general3A_382 {dimension_numbers = #tpu.dot_dimension_numbers<[1], [1], [0], [0], [0, 0, 1, 0], [], []>, transpose_lhs_hint = false} : vector<512x128xbf16>, vector<128x128xbf16>, vector<512x128xf32> -> vector<512x128xf32>
      %mul3A_384 = arith.constant 4 : i32
      %mul3A_385 = arith.muli %mul3A_384, %arg1 : i32
      %sub3A_386 = arith.subi %mul3A_385, %add3A_371 : i32
      %add3A_387 = arith.constant 4 : i32
      %add3A_388 = arith.addi %sub3A_386, %add3A_387 : i32
      %sub3A_389 = arith.constant 1 : i32
      %sub3A_390 = arith.subi %add3A_388, %sub3A_389 : i32
      %get3A_391 = arith.constant 0 : index
      %get3A_392 = arith.index_cast %sub3A_390 : i32 to index
      %get3A_393 = arith.constant 0 : index
      %get3A_394 = arith.constant 0 : index
      %get3A_395 = vector.load %arg6[%get3A_391, %get3A_392, %get3A_393, %get3A_394] : memref<1x19x128x128xbf16, #tpu.memory_space<vmem>>, vector<1x4x128x128xbf16>
      %get3A_396 = vector.shape_cast %get3A_395 : vector<1x4x128x128xbf16> to vector<4x128x128xbf16>
      %reshape3A_397 = vector.shape_cast %get3A_396 : vector<4x128x128xbf16> to vector<512x128xbf16>
      %mul3A_398 = arith.constant 128 : i32
      %mul3A_399 = arith.muli %add3A_371, %mul3A_398 : i32
      %get3A_400 = arith.constant 0 : index
      %get3A_401 = arith.constant 0 : index
      %get3A_402 = arith.index_cast %mul3A_399 : i32 to index
      %get3A_403 = vector.load %arg5[%get3A_400, %get3A_401, %get3A_402] : memref<1x1x2048xbf16, #tpu.memory_space<vmem>>, vector<1x1x128xbf16>
      %get3A_404 = vector.shape_cast %get3A_403 : vector<1x1x128xbf16> to vector<128xbf16>
      %broadcast_in_dim3A_405 = vector.shape_cast %get3A_404 : vector<128xbf16> to vector<1x128xbf16>
      %add3A_406 = vector.broadcast %broadcast_in_dim3A_405 : vector<1x128xbf16> to vector<512x128xbf16>
      %add3A_407 = arith.addf %reshape3A_397, %add3A_406 : vector<512x128xbf16>
      %min3A_408 = arith.constant 1.000000e+00 : bf16
      %min3A_409 = vector.broadcast %min3A_408 : bf16 to vector<512x128xbf16>
      %min3A_410 = arith.minimumf %add3A_407, %min3A_409 : vector<512x128xbf16>
      %convert_element_type3A_411 = arith.extf %min3A_410 : vector<512x128xbf16> to vector<512x128xf32>
      %exp3A_412 = math.exp %dot_general3A_383 : vector<512x128xf32>
      %mul3A_413 = arith.mulf %exp3A_412, %convert_element_type3A_411 : vector<512x128xf32>
      %reduce_sum3A_414 = arith.constant dense<0.000000e+00> : vector<512xf32>
      %reduce_sum3A_415 = vector.multi_reduction <add>, %mul3A_413, %reduce_sum3A_414 [1] : vector<512x128xf32> to vector<512xf32>
      %broadcast_in_dim3A_416 = vector.shape_cast %reduce_sum3A_415 : vector<512xf32> to vector<512x1xf32>
      %add3A_417 = arith.addf %add3A_363, %broadcast_in_dim3A_416 : vector<512x1xf32>
      %convert_element_type3A_418 = arith.truncf %mul3A_413 : vector<512x128xf32> to vector<512x128xbf16>
      %dot_general3A_419 = arith.constant dense<0.000000e+00> : vector<512x128xf32>
      %dot_general3A_420 = tpu.matmul %convert_element_type3A_418, %get3A_381, %dot_general3A_419 {dimension_numbers = #tpu.dot_dimension_numbers<[1], [0], [0], [1], [0, 0, 1, 1], [], []>, transpose_lhs_hint = false} : vector<512x128xbf16>, vector<128x128xbf16>, vector<512x128xf32> -> vector<512x128xf32>
      %add3A_421 = arith.addf %add3A_367, %dot_general3A_420 : vector<512x128xf32>
      %mul3A_422 = arith.constant 4 : i32
      %mul3A_423 = arith.muli %mul3A_422, %while3A_257 : i32
      %add3A_424 = arith.constant 3 : i32
      %add3A_425 = arith.addi %mul3A_423, %add3A_424 : i32
      %mul3A_426 = arith.constant 128 : i32
      %mul3A_427 = arith.muli %add3A_425, %mul3A_426 : i32
      %get3A_428 = arith.index_cast %mul3A_427 : i32 to index
      %get3A_429 = arith.constant 0 : index
      %get3A_430 = vector.load %arg3[%get3A_428, %get3A_429] : memref<2048x128xbf16, #tpu.memory_space<vmem>>, vector<128x128xbf16>
      %mul3A_431 = arith.constant 128 : i32
      %mul3A_432 = arith.muli %add3A_425, %mul3A_431 : i32
      %get3A_433 = arith.index_cast %mul3A_432 : i32 to index
      %get3A_434 = arith.constant 0 : index
      %get3A_435 = vector.load %arg4[%get3A_433, %get3A_434] : memref<2048x128xbf16, #tpu.memory_space<vmem>>, vector<128x128xbf16>
      %dot_general3A_436 = arith.constant dense<0.000000e+00> : vector<512x128xf32>
      %dot_general3A_437 = tpu.matmul %get3A_1, %get3A_430, %dot_general3A_436 {dimension_numbers = #tpu.dot_dimension_numbers<[1], [1], [0], [0], [0, 0, 1, 0], [], []>, transpose_lhs_hint = false} : vector<512x128xbf16>, vector<128x128xbf16>, vector<512x128xf32> -> vector<512x128xf32>
      %mul3A_438 = arith.constant 4 : i32
      %mul3A_439 = arith.muli %mul3A_438, %arg1 : i32
      %sub3A_440 = arith.subi %mul3A_439, %add3A_425 : i32
      %add3A_441 = arith.constant 4 : i32
      %add3A_442 = arith.addi %sub3A_440, %add3A_441 : i32
      %sub3A_443 = arith.constant 1 : i32
      %sub3A_444 = arith.subi %add3A_442, %sub3A_443 : i32
      %get3A_445 = arith.constant 0 : index
      %get3A_446 = arith.index_cast %sub3A_444 : i32 to index
      %get3A_447 = arith.constant 0 : index
      %get3A_448 = arith.constant 0 : index
      %get3A_449 = vector.load %arg6[%get3A_445, %get3A_446, %get3A_447, %get3A_448] : memref<1x19x128x128xbf16, #tpu.memory_space<vmem>>, vector<1x4x128x128xbf16>
      %get3A_450 = vector.shape_cast %get3A_449 : vector<1x4x128x128xbf16> to vector<4x128x128xbf16>
      %reshape3A_451 = vector.shape_cast %get3A_450 : vector<4x128x128xbf16> to vector<512x128xbf16>
      %mul3A_452 = arith.constant 128 : i32
      %mul3A_453 = arith.muli %add3A_425, %mul3A_452 : i32
      %get3A_454 = arith.constant 0 : index
      %get3A_455 = arith.constant 0 : index
      %get3A_456 = arith.index_cast %mul3A_453 : i32 to index
      %get3A_457 = vector.load %arg5[%get3A_454, %get3A_455, %get3A_456] : memref<1x1x2048xbf16, #tpu.memory_space<vmem>>, vector<1x1x128xbf16>
      %get3A_458 = vector.shape_cast %get3A_457 : vector<1x1x128xbf16> to vector<128xbf16>
      %broadcast_in_dim3A_459 = vector.shape_cast %get3A_458 : vector<128xbf16> to vector<1x128xbf16>
      %add3A_460 = vector.broadcast %broadcast_in_dim3A_459 : vector<1x128xbf16> to vector<512x128xbf16>
      %add3A_461 = arith.addf %reshape3A_451, %add3A_460 : vector<512x128xbf16>
      %min3A_462 = arith.constant 1.000000e+00 : bf16
      %min3A_463 = vector.broadcast %min3A_462 : bf16 to vector<512x128xbf16>
      %min3A_464 = arith.minimumf %add3A_461, %min3A_463 : vector<512x128xbf16>
      %convert_element_type3A_465 = arith.extf %min3A_464 : vector<512x128xbf16> to vector<512x128xf32>
      %exp3A_466 = math.exp %dot_general3A_437 : vector<512x128xf32>
      %mul3A_467 = arith.mulf %exp3A_466, %convert_element_type3A_465 : vector<512x128xf32>
      %reduce_sum3A_468 = arith.constant dense<0.000000e+00> : vector<512xf32>
      %reduce_sum3A_469 = vector.multi_reduction <add>, %mul3A_467, %reduce_sum3A_468 [1] : vector<512x128xf32> to vector<512xf32>
      %broadcast_in_dim3A_470 = vector.shape_cast %reduce_sum3A_469 : vector<512xf32> to vector<512x1xf32>
      %add3A_471 = arith.addf %add3A_417, %broadcast_in_dim3A_470 : vector<512x1xf32>
      %convert_element_type3A_472 = arith.truncf %mul3A_467 : vector<512x128xf32> to vector<512x128xbf16>
      %dot_general3A_473 = arith.constant dense<0.000000e+00> : vector<512x128xf32>
      %dot_general3A_474 = tpu.matmul %convert_element_type3A_472, %get3A_435, %dot_general3A_473 {dimension_numbers = #tpu.dot_dimension_numbers<[1], [0], [0], [1], [0, 0, 1, 1], [], []>, transpose_lhs_hint = false} : vector<512x128xbf16>, vector<128x128xbf16>, vector<512x128xf32> -> vector<512x128xf32>
      %add3A_475 = arith.addf %add3A_421, %dot_general3A_474 : vector<512x128xf32>
      scf.yield %add3A_471, %add3A_475 : vector<512x1xf32>, vector<512x128xf32>
    }
    %mul3A_18 = arith.constant 4 : i32
    %mul3A_19 = arith.muli %mul3A_18, %arg1 : i32
    %add3A_20 = arith.constant 0 : i32
    %add3A_21 = arith.addi %mul3A_19, %add3A_20 : i32
    %mul3A_22 = arith.constant 128 : i32
    %mul3A_23 = arith.muli %add3A_21, %mul3A_22 : i32
    %get3A_24 = arith.index_cast %mul3A_23 : i32 to index
    %get3A_25 = arith.constant 0 : index
    %get3A_26 = vector.load %arg3[%get3A_24, %get3A_25] : memref<2048x128xbf16, #tpu.memory_space<vmem>>, vector<128x128xbf16>
    %mul3A_27 = arith.constant 128 : i32
    %mul3A_28 = arith.muli %add3A_21, %mul3A_27 : i32
    %get3A_29 = arith.index_cast %mul3A_28 : i32 to index
    %get3A_30 = arith.constant 0 : index
    %get3A_31 = vector.load %arg4[%get3A_29, %get3A_30] : memref<2048x128xbf16, #tpu.memory_space<vmem>>, vector<128x128xbf16>
    %dot_general3A = arith.constant dense<0.000000e+00> : vector<512x128xf32>
    %dot_general3A_32 = tpu.matmul %get3A_1, %get3A_26, %dot_general3A {dimension_numbers = #tpu.dot_dimension_numbers<[1], [1], [0], [0], [0, 0, 1, 0], [], []>, transpose_lhs_hint = false} : vector<512x128xbf16>, vector<128x128xbf16>, vector<512x128xf32> -> vector<512x128xf32>
    %mul3A_33 = arith.constant 4 : i32
    %mul3A_34 = arith.muli %mul3A_33, %arg1 : i32
    %sub3A_35 = arith.subi %mul3A_34, %add3A_21 : i32
    %add3A_36 = arith.constant 4 : i32
    %add3A_37 = arith.addi %sub3A_35, %add3A_36 : i32
    %sub3A_38 = arith.constant 1 : i32
    %sub3A_39 = arith.subi %add3A_37, %sub3A_38 : i32
    %get3A_40 = arith.constant 0 : index
    %get3A_41 = arith.index_cast %sub3A_39 : i32 to index
    %get3A_42 = arith.constant 0 : index
    %get3A_43 = arith.constant 0 : index
    %get3A_44 = vector.load %arg6[%get3A_40, %get3A_41, %get3A_42, %get3A_43] : memref<1x19x128x128xbf16, #tpu.memory_space<vmem>>, vector<1x4x128x128xbf16>
    %get3A_45 = vector.shape_cast %get3A_44 : vector<1x4x128x128xbf16> to vector<4x128x128xbf16>
    %reshape3A = vector.shape_cast %get3A_45 : vector<4x128x128xbf16> to vector<512x128xbf16>
    %mul3A_46 = arith.constant 128 : i32
    %mul3A_47 = arith.muli %add3A_21, %mul3A_46 : i32
    %get3A_48 = arith.constant 0 : index
    %get3A_49 = arith.constant 0 : index
    %get3A_50 = arith.index_cast %mul3A_47 : i32 to index
    %get3A_51 = vector.load %arg5[%get3A_48, %get3A_49, %get3A_50] : memref<1x1x2048xbf16, #tpu.memory_space<vmem>>, vector<1x1x128xbf16>
    %get3A_52 = vector.shape_cast %get3A_51 : vector<1x1x128xbf16> to vector<128xbf16>
    %broadcast_in_dim3A_53 = vector.shape_cast %get3A_52 : vector<128xbf16> to vector<1x128xbf16>
    %add3A_54 = vector.broadcast %broadcast_in_dim3A_53 : vector<1x128xbf16> to vector<512x128xbf16>
    %add3A_55 = arith.addf %reshape3A, %add3A_54 : vector<512x128xbf16>
    %min3A = arith.constant 1.000000e+00 : bf16
    %min3A_56 = vector.broadcast %min3A : bf16 to vector<512x128xbf16>
    %min3A_57 = arith.minimumf %add3A_55, %min3A_56 : vector<512x128xbf16>
    %convert_element_type3A = arith.extf %min3A_57 : vector<512x128xbf16> to vector<512x128xf32>
    %mul3A_58 = arith.constant 128 : i32
    %mul3A_59 = arith.muli %add3A_21, %mul3A_58 : i32
    %ge3A = vector.broadcast %mul3A_59 : i32 to vector<512x128xi32>
    %ge3A_60 = arith.cmpi sge, %sub3A, %ge3A : vector<512x128xi32>
    %jit3A = arith.constant 0.000000e+00 : f32
    %broadcast_in_dim3A_61 = vector.broadcast %jit3A : f32 to vector<512x128xf32>
    %select_n3A = arith.select %ge3A_60, %convert_element_type3A, %broadcast_in_dim3A_61 : vector<512x128xi1>, vector<512x128xf32>
    %exp3A = math.exp %dot_general3A_32 : vector<512x128xf32>
    %mul3A_62 = arith.mulf %exp3A, %select_n3A : vector<512x128xf32>
    %reduce_sum3A = arith.constant dense<0.000000e+00> : vector<512xf32>
    %reduce_sum3A_63 = vector.multi_reduction <add>, %mul3A_62, %reduce_sum3A [1] : vector<512x128xf32> to vector<512xf32>
    %broadcast_in_dim3A_64 = vector.shape_cast %reduce_sum3A_63 : vector<512xf32> to vector<512x1xf32>
    %add3A_65 = arith.addf %while3A_17#0, %broadcast_in_dim3A_64 : vector<512x1xf32>
    %convert_element_type3A_66 = arith.truncf %mul3A_62 : vector<512x128xf32> to vector<512x128xbf16>
    %dot_general3A_67 = arith.constant dense<0.000000e+00> : vector<512x128xf32>
    %dot_general3A_68 = tpu.matmul %convert_element_type3A_66, %get3A_31, %dot_general3A_67 {dimension_numbers = #tpu.dot_dimension_numbers<[1], [0], [0], [1], [0, 0, 1, 1], [], []>, transpose_lhs_hint = false} : vector<512x128xbf16>, vector<128x128xbf16>, vector<512x128xf32> -> vector<512x128xf32>
    %add3A_69 = arith.addf %while3A_17#1, %dot_general3A_68 : vector<512x128xf32>
    %mul3A_70 = arith.constant 4 : i32
    %mul3A_71 = arith.muli %mul3A_70, %arg1 : i32
    %add3A_72 = arith.constant 1 : i32
    %add3A_73 = arith.addi %mul3A_71, %add3A_72 : i32
    %mul3A_74 = arith.constant 128 : i32
    %mul3A_75 = arith.muli %add3A_73, %mul3A_74 : i32
    %get3A_76 = arith.index_cast %mul3A_75 : i32 to index
    %get3A_77 = arith.constant 0 : index
    %get3A_78 = vector.load %arg3[%get3A_76, %get3A_77] : memref<2048x128xbf16, #tpu.memory_space<vmem>>, vector<128x128xbf16>
    %mul3A_79 = arith.constant 128 : i32
    %mul3A_80 = arith.muli %add3A_73, %mul3A_79 : i32
    %get3A_81 = arith.index_cast %mul3A_80 : i32 to index
    %get3A_82 = arith.constant 0 : index
    %get3A_83 = vector.load %arg4[%get3A_81, %get3A_82] : memref<2048x128xbf16, #tpu.memory_space<vmem>>, vector<128x128xbf16>
    %dot_general3A_84 = arith.constant dense<0.000000e+00> : vector<512x128xf32>
    %dot_general3A_85 = tpu.matmul %get3A_1, %get3A_78, %dot_general3A_84 {dimension_numbers = #tpu.dot_dimension_numbers<[1], [1], [0], [0], [0, 0, 1, 0], [], []>, transpose_lhs_hint = false} : vector<512x128xbf16>, vector<128x128xbf16>, vector<512x128xf32> -> vector<512x128xf32>
    %mul3A_86 = arith.constant 4 : i32
    %mul3A_87 = arith.muli %mul3A_86, %arg1 : i32
    %sub3A_88 = arith.subi %mul3A_87, %add3A_73 : i32
    %add3A_89 = arith.constant 4 : i32
    %add3A_90 = arith.addi %sub3A_88, %add3A_89 : i32
    %sub3A_91 = arith.constant 1 : i32
    %sub3A_92 = arith.subi %add3A_90, %sub3A_91 : i32
    %get3A_93 = arith.constant 0 : index
    %get3A_94 = arith.index_cast %sub3A_92 : i32 to index
    %get3A_95 = arith.constant 0 : index
    %get3A_96 = arith.constant 0 : index
    %get3A_97 = vector.load %arg6[%get3A_93, %get3A_94, %get3A_95, %get3A_96] : memref<1x19x128x128xbf16, #tpu.memory_space<vmem>>, vector<1x4x128x128xbf16>
    %get3A_98 = vector.shape_cast %get3A_97 : vector<1x4x128x128xbf16> to vector<4x128x128xbf16>
    %reshape3A_99 = vector.shape_cast %get3A_98 : vector<4x128x128xbf16> to vector<512x128xbf16>
    %mul3A_100 = arith.constant 128 : i32
    %mul3A_101 = arith.muli %add3A_73, %mul3A_100 : i32
    %get3A_102 = arith.constant 0 : index
    %get3A_103 = arith.constant 0 : index
    %get3A_104 = arith.index_cast %mul3A_101 : i32 to index
    %get3A_105 = vector.load %arg5[%get3A_102, %get3A_103, %get3A_104] : memref<1x1x2048xbf16, #tpu.memory_space<vmem>>, vector<1x1x128xbf16>
    %get3A_106 = vector.shape_cast %get3A_105 : vector<1x1x128xbf16> to vector<128xbf16>
    %broadcast_in_dim3A_107 = vector.shape_cast %get3A_106 : vector<128xbf16> to vector<1x128xbf16>
    %add3A_108 = vector.broadcast %broadcast_in_dim3A_107 : vector<1x128xbf16> to vector<512x128xbf16>
    %add3A_109 = arith.addf %reshape3A_99, %add3A_108 : vector<512x128xbf16>
    %min3A_110 = arith.constant 1.000000e+00 : bf16
    %min3A_111 = vector.broadcast %min3A_110 : bf16 to vector<512x128xbf16>
    %min3A_112 = arith.minimumf %add3A_109, %min3A_111 : vector<512x128xbf16>
    %convert_element_type3A_113 = arith.extf %min3A_112 : vector<512x128xbf16> to vector<512x128xf32>
    %mul3A_114 = arith.constant 128 : i32
    %mul3A_115 = arith.muli %add3A_73, %mul3A_114 : i32
    %ge3A_116 = vector.broadcast %mul3A_115 : i32 to vector<512x128xi32>
    %ge3A_117 = arith.cmpi sge, %sub3A, %ge3A_116 : vector<512x128xi32>
    %jit3A_118 = arith.constant 0.000000e+00 : f32
    %broadcast_in_dim3A_119 = vector.broadcast %jit3A_118 : f32 to vector<512x128xf32>
    %select_n3A_120 = arith.select %ge3A_117, %convert_element_type3A_113, %broadcast_in_dim3A_119 : vector<512x128xi1>, vector<512x128xf32>
    %exp3A_121 = math.exp %dot_general3A_85 : vector<512x128xf32>
    %mul3A_122 = arith.mulf %exp3A_121, %select_n3A_120 : vector<512x128xf32>
    %reduce_sum3A_123 = arith.constant dense<0.000000e+00> : vector<512xf32>
    %reduce_sum3A_124 = vector.multi_reduction <add>, %mul3A_122, %reduce_sum3A_123 [1] : vector<512x128xf32> to vector<512xf32>
    %broadcast_in_dim3A_125 = vector.shape_cast %reduce_sum3A_124 : vector<512xf32> to vector<512x1xf32>
    %add3A_126 = arith.addf %add3A_65, %broadcast_in_dim3A_125 : vector<512x1xf32>
    %convert_element_type3A_127 = arith.truncf %mul3A_122 : vector<512x128xf32> to vector<512x128xbf16>
    %dot_general3A_128 = arith.constant dense<0.000000e+00> : vector<512x128xf32>
    %dot_general3A_129 = tpu.matmul %convert_element_type3A_127, %get3A_83, %dot_general3A_128 {dimension_numbers = #tpu.dot_dimension_numbers<[1], [0], [0], [1], [0, 0, 1, 1], [], []>, transpose_lhs_hint = false} : vector<512x128xbf16>, vector<128x128xbf16>, vector<512x128xf32> -> vector<512x128xf32>
    %add3A_130 = arith.addf %add3A_69, %dot_general3A_129 : vector<512x128xf32>
    %mul3A_131 = arith.constant 4 : i32
    %mul3A_132 = arith.muli %mul3A_131, %arg1 : i32
    %add3A_133 = arith.constant 2 : i32
    %add3A_134 = arith.addi %mul3A_132, %add3A_133 : i32
    %mul3A_135 = arith.constant 128 : i32
    %mul3A_136 = arith.muli %add3A_134, %mul3A_135 : i32
    %get3A_137 = arith.index_cast %mul3A_136 : i32 to index
    %get3A_138 = arith.constant 0 : index
    %get3A_139 = vector.load %arg3[%get3A_137, %get3A_138] : memref<2048x128xbf16, #tpu.memory_space<vmem>>, vector<128x128xbf16>
    %mul3A_140 = arith.constant 128 : i32
    %mul3A_141 = arith.muli %add3A_134, %mul3A_140 : i32
    %get3A_142 = arith.index_cast %mul3A_141 : i32 to index
    %get3A_143 = arith.constant 0 : index
    %get3A_144 = vector.load %arg4[%get3A_142, %get3A_143] : memref<2048x128xbf16, #tpu.memory_space<vmem>>, vector<128x128xbf16>
    %dot_general3A_145 = arith.constant dense<0.000000e+00> : vector<512x128xf32>
    %dot_general3A_146 = tpu.matmul %get3A_1, %get3A_139, %dot_general3A_145 {dimension_numbers = #tpu.dot_dimension_numbers<[1], [1], [0], [0], [0, 0, 1, 0], [], []>, transpose_lhs_hint = false} : vector<512x128xbf16>, vector<128x128xbf16>, vector<512x128xf32> -> vector<512x128xf32>
    %mul3A_147 = arith.constant 4 : i32
    %mul3A_148 = arith.muli %mul3A_147, %arg1 : i32
    %sub3A_149 = arith.subi %mul3A_148, %add3A_134 : i32
    %add3A_150 = arith.constant 4 : i32
    %add3A_151 = arith.addi %sub3A_149, %add3A_150 : i32
    %sub3A_152 = arith.constant 1 : i32
    %sub3A_153 = arith.subi %add3A_151, %sub3A_152 : i32
    %get3A_154 = arith.constant 0 : index
    %get3A_155 = arith.index_cast %sub3A_153 : i32 to index
    %get3A_156 = arith.constant 0 : index
    %get3A_157 = arith.constant 0 : index
    %get3A_158 = vector.load %arg6[%get3A_154, %get3A_155, %get3A_156, %get3A_157] : memref<1x19x128x128xbf16, #tpu.memory_space<vmem>>, vector<1x4x128x128xbf16>
    %get3A_159 = vector.shape_cast %get3A_158 : vector<1x4x128x128xbf16> to vector<4x128x128xbf16>
    %reshape3A_160 = vector.shape_cast %get3A_159 : vector<4x128x128xbf16> to vector<512x128xbf16>
    %mul3A_161 = arith.constant 128 : i32
    %mul3A_162 = arith.muli %add3A_134, %mul3A_161 : i32
    %get3A_163 = arith.constant 0 : index
    %get3A_164 = arith.constant 0 : index
    %get3A_165 = arith.index_cast %mul3A_162 : i32 to index
    %get3A_166 = vector.load %arg5[%get3A_163, %get3A_164, %get3A_165] : memref<1x1x2048xbf16, #tpu.memory_space<vmem>>, vector<1x1x128xbf16>
    %get3A_167 = vector.shape_cast %get3A_166 : vector<1x1x128xbf16> to vector<128xbf16>
    %broadcast_in_dim3A_168 = vector.shape_cast %get3A_167 : vector<128xbf16> to vector<1x128xbf16>
    %add3A_169 = vector.broadcast %broadcast_in_dim3A_168 : vector<1x128xbf16> to vector<512x128xbf16>
    %add3A_170 = arith.addf %reshape3A_160, %add3A_169 : vector<512x128xbf16>
    %min3A_171 = arith.constant 1.000000e+00 : bf16
    %min3A_172 = vector.broadcast %min3A_171 : bf16 to vector<512x128xbf16>
    %min3A_173 = arith.minimumf %add3A_170, %min3A_172 : vector<512x128xbf16>
    %convert_element_type3A_174 = arith.extf %min3A_173 : vector<512x128xbf16> to vector<512x128xf32>
    %mul3A_175 = arith.constant 128 : i32
    %mul3A_176 = arith.muli %add3A_134, %mul3A_175 : i32
    %ge3A_177 = vector.broadcast %mul3A_176 : i32 to vector<512x128xi32>
    %ge3A_178 = arith.cmpi sge, %sub3A, %ge3A_177 : vector<512x128xi32>
    %jit3A_179 = arith.constant 0.000000e+00 : f32
    %broadcast_in_dim3A_180 = vector.broadcast %jit3A_179 : f32 to vector<512x128xf32>
    %select_n3A_181 = arith.select %ge3A_178, %convert_element_type3A_174, %broadcast_in_dim3A_180 : vector<512x128xi1>, vector<512x128xf32>
    %exp3A_182 = math.exp %dot_general3A_146 : vector<512x128xf32>
    %mul3A_183 = arith.mulf %exp3A_182, %select_n3A_181 : vector<512x128xf32>
    %reduce_sum3A_184 = arith.constant dense<0.000000e+00> : vector<512xf32>
    %reduce_sum3A_185 = vector.multi_reduction <add>, %mul3A_183, %reduce_sum3A_184 [1] : vector<512x128xf32> to vector<512xf32>
    %broadcast_in_dim3A_186 = vector.shape_cast %reduce_sum3A_185 : vector<512xf32> to vector<512x1xf32>
    %add3A_187 = arith.addf %add3A_126, %broadcast_in_dim3A_186 : vector<512x1xf32>
    %convert_element_type3A_188 = arith.truncf %mul3A_183 : vector<512x128xf32> to vector<512x128xbf16>
    %dot_general3A_189 = arith.constant dense<0.000000e+00> : vector<512x128xf32>
    %dot_general3A_190 = tpu.matmul %convert_element_type3A_188, %get3A_144, %dot_general3A_189 {dimension_numbers = #tpu.dot_dimension_numbers<[1], [0], [0], [1], [0, 0, 1, 1], [], []>, transpose_lhs_hint = false} : vector<512x128xbf16>, vector<128x128xbf16>, vector<512x128xf32> -> vector<512x128xf32>
    %add3A_191 = arith.addf %add3A_130, %dot_general3A_190 : vector<512x128xf32>
    %mul3A_192 = arith.constant 4 : i32
    %mul3A_193 = arith.muli %mul3A_192, %arg1 : i32
    %add3A_194 = arith.constant 3 : i32
    %add3A_195 = arith.addi %mul3A_193, %add3A_194 : i32
    %mul3A_196 = arith.constant 128 : i32
    %mul3A_197 = arith.muli %add3A_195, %mul3A_196 : i32
    %get3A_198 = arith.index_cast %mul3A_197 : i32 to index
    %get3A_199 = arith.constant 0 : index
    %get3A_200 = vector.load %arg3[%get3A_198, %get3A_199] : memref<2048x128xbf16, #tpu.memory_space<vmem>>, vector<128x128xbf16>
    %mul3A_201 = arith.constant 128 : i32
    %mul3A_202 = arith.muli %add3A_195, %mul3A_201 : i32
    %get3A_203 = arith.index_cast %mul3A_202 : i32 to index
    %get3A_204 = arith.constant 0 : index
    %get3A_205 = vector.load %arg4[%get3A_203, %get3A_204] : memref<2048x128xbf16, #tpu.memory_space<vmem>>, vector<128x128xbf16>
    %dot_general3A_206 = arith.constant dense<0.000000e+00> : vector<512x128xf32>
    %dot_general3A_207 = tpu.matmul %get3A_1, %get3A_200, %dot_general3A_206 {dimension_numbers = #tpu.dot_dimension_numbers<[1], [1], [0], [0], [0, 0, 1, 0], [], []>, transpose_lhs_hint = false} : vector<512x128xbf16>, vector<128x128xbf16>, vector<512x128xf32> -> vector<512x128xf32>
    %mul3A_208 = arith.constant 4 : i32
    %mul3A_209 = arith.muli %mul3A_208, %arg1 : i32
    %sub3A_210 = arith.subi %mul3A_209, %add3A_195 : i32
    %add3A_211 = arith.constant 4 : i32
    %add3A_212 = arith.addi %sub3A_210, %add3A_211 : i32
    %sub3A_213 = arith.constant 1 : i32
    %sub3A_214 = arith.subi %add3A_212, %sub3A_213 : i32
    %get3A_215 = arith.constant 0 : index
    %get3A_216 = arith.index_cast %sub3A_214 : i32 to index
    %get3A_217 = arith.constant 0 : index
    %get3A_218 = arith.constant 0 : index
    %get3A_219 = vector.load %arg6[%get3A_215, %get3A_216, %get3A_217, %get3A_218] : memref<1x19x128x128xbf16, #tpu.memory_space<vmem>>, vector<1x4x128x128xbf16>
    %get3A_220 = vector.shape_cast %get3A_219 : vector<1x4x128x128xbf16> to vector<4x128x128xbf16>
    %reshape3A_221 = vector.shape_cast %get3A_220 : vector<4x128x128xbf16> to vector<512x128xbf16>
    %mul3A_222 = arith.constant 128 : i32
    %mul3A_223 = arith.muli %add3A_195, %mul3A_222 : i32
    %get3A_224 = arith.constant 0 : index
    %get3A_225 = arith.constant 0 : index
    %get3A_226 = arith.index_cast %mul3A_223 : i32 to index
    %get3A_227 = vector.load %arg5[%get3A_224, %get3A_225, %get3A_226] : memref<1x1x2048xbf16, #tpu.memory_space<vmem>>, vector<1x1x128xbf16>
    %get3A_228 = vector.shape_cast %get3A_227 : vector<1x1x128xbf16> to vector<128xbf16>
    %broadcast_in_dim3A_229 = vector.shape_cast %get3A_228 : vector<128xbf16> to vector<1x128xbf16>
    %add3A_230 = vector.broadcast %broadcast_in_dim3A_229 : vector<1x128xbf16> to vector<512x128xbf16>
    %add3A_231 = arith.addf %reshape3A_221, %add3A_230 : vector<512x128xbf16>
    %min3A_232 = arith.constant 1.000000e+00 : bf16
    %min3A_233 = vector.broadcast %min3A_232 : bf16 to vector<512x128xbf16>
    %min3A_234 = arith.minimumf %add3A_231, %min3A_233 : vector<512x128xbf16>
    %convert_element_type3A_235 = arith.extf %min3A_234 : vector<512x128xbf16> to vector<512x128xf32>
    %mul3A_236 = arith.constant 128 : i32
    %mul3A_237 = arith.muli %add3A_195, %mul3A_236 : i32
    %ge3A_238 = vector.broadcast %mul3A_237 : i32 to vector<512x128xi32>
    %ge3A_239 = arith.cmpi sge, %sub3A, %ge3A_238 : vector<512x128xi32>
    %jit3A_240 = arith.constant 0.000000e+00 : f32
    %broadcast_in_dim3A_241 = vector.broadcast %jit3A_240 : f32 to vector<512x128xf32>
    %select_n3A_242 = arith.select %ge3A_239, %convert_element_type3A_235, %broadcast_in_dim3A_241 : vector<512x128xi1>, vector<512x128xf32>
    %exp3A_243 = math.exp %dot_general3A_207 : vector<512x128xf32>
    %mul3A_244 = arith.mulf %exp3A_243, %select_n3A_242 : vector<512x128xf32>
    %reduce_sum3A_245 = arith.constant dense<0.000000e+00> : vector<512xf32>
    %reduce_sum3A_246 = vector.multi_reduction <add>, %mul3A_244, %reduce_sum3A_245 [1] : vector<512x128xf32> to vector<512xf32>
    %broadcast_in_dim3A_247 = vector.shape_cast %reduce_sum3A_246 : vector<512xf32> to vector<512x1xf32>
    %add3A_248 = arith.addf %add3A_187, %broadcast_in_dim3A_247 : vector<512x1xf32>
    %convert_element_type3A_249 = arith.truncf %mul3A_244 : vector<512x128xf32> to vector<512x128xbf16>
    %dot_general3A_250 = arith.constant dense<0.000000e+00> : vector<512x128xf32>
    %dot_general3A_251 = tpu.matmul %convert_element_type3A_249, %get3A_205, %dot_general3A_250 {dimension_numbers = #tpu.dot_dimension_numbers<[1], [0], [0], [1], [0, 0, 1, 1], [], []>, transpose_lhs_hint = false} : vector<512x128xbf16>, vector<128x128xbf16>, vector<512x128xf32> -> vector<512x128xf32>
    %add3A_252 = arith.addf %add3A_191, %dot_general3A_251 : vector<512x128xf32>
    %div3A = vector.broadcast %add3A_248 : vector<512x1xf32> to vector<512x128xf32>
    %div3A_253 = arith.divf %add3A_252, %div3A : vector<512x128xf32>
    %convert_element_type3A_254 = arith.truncf %div3A_253 : vector<512x128xf32> to vector<512x128xbf16>
    %swap3A = arith.constant 0 : index
    %swap3A_255 = arith.constant 0 : index
    %swap3A_256 = vector.load %arg7[%swap3A, %swap3A_255] : memref<512x128xbf16, #tpu.memory_space<vmem>>, vector<512x128xbf16>
    tpu.vector_store %arg7[%swap3A, %swap3A_255], %convert_element_type3A_254 {strides = array<i32>} : memref<512x128xbf16, #tpu.memory_space<vmem>>, vector<512x128xbf16>,
    return
  }
  func.func @transform_0(%arg0: i32, %arg1: i32) -> (i32, i32) {
    %c0_i32 = arith.constant 0 : i32
    return %arg1, %arg0 : i32, i32
  }
  func.func @transform_1(%arg0: i32, %arg1: i32) -> (i32, i32) {
    %jit3A = arith.constant 2 : i32
    %div3A = arith.divsi %arg0, %jit3A : i32
    %sign3A = arith.constant 0 : i32
    %sign3A_0 = arith.cmpi sgt, %arg0, %sign3A : i32
    %sign3A_1 = arith.extui %sign3A_0 : i1 to i32
    %sign3A_2 = arith.constant 0 : i32
    %sign3A_3 = arith.cmpi slt, %arg0, %sign3A_2 : i32
    %sign3A_4 = arith.extui %sign3A_3 : i1 to i32
    %sign3A_5 = arith.subi %sign3A_1, %sign3A_4 : i32
    %sign3A_6 = arith.constant 0 : i32
    %sign3A_7 = arith.cmpi sgt, %jit3A, %sign3A_6 : i32
    %sign3A_8 = arith.extui %sign3A_7 : i1 to i32
    %sign3A_9 = arith.constant 0 : i32
    %sign3A_10 = arith.cmpi slt, %jit3A, %sign3A_9 : i32
    %sign3A_11 = arith.extui %sign3A_10 : i1 to i32
    %sign3A_12 = arith.subi %sign3A_8, %sign3A_11 : i32
    %ne3A = arith.cmpi ne, %sign3A_5, %sign3A_12 : i32
    %rem3A = arith.remsi %arg0, %jit3A : i32
    %ne3A_13 = arith.constant 0 : i32
    %ne3A_14 = arith.cmpi ne, %rem3A, %ne3A_13 : i32
    %and3A = arith.andi %ne3A, %ne3A_14 : i1
    %sub3A = arith.constant 1 : i32
    %sub3A_15 = arith.subi %div3A, %sub3A : i32
    %select_n3A = arith.select %and3A, %sub3A_15, %div3A : i32
    %add3A = arith.constant 16 : i32
    %add3A_16 = arith.addi %add3A, %select_n3A : i32
    %c0_i32 = arith.constant 0 : i32
    %c0_i32_17 = arith.constant 0 : i32
    return %c0_i32, %add3A_16 : i32, i32
  }
  func.func @transform_2(%arg0: i32, %arg1: i32) -> (i32, i32) {
    %jit3A = arith.constant 2 : i32
    %div3A = arith.divsi %arg0, %jit3A : i32
    %sign3A = arith.constant 0 : i32
    %sign3A_0 = arith.cmpi sgt, %arg0, %sign3A : i32
    %sign3A_1 = arith.extui %sign3A_0 : i1 to i32
    %sign3A_2 = arith.constant 0 : i32
    %sign3A_3 = arith.cmpi slt, %arg0, %sign3A_2 : i32
    %sign3A_4 = arith.extui %sign3A_3 : i1 to i32
    %sign3A_5 = arith.subi %sign3A_1, %sign3A_4 : i32
    %sign3A_6 = arith.constant 0 : i32
    %sign3A_7 = arith.cmpi sgt, %jit3A, %sign3A_6 : i32
    %sign3A_8 = arith.extui %sign3A_7 : i1 to i32
    %sign3A_9 = arith.constant 0 : i32
    %sign3A_10 = arith.cmpi slt, %jit3A, %sign3A_9 : i32
    %sign3A_11 = arith.extui %sign3A_10 : i1 to i32
    %sign3A_12 = arith.subi %sign3A_8, %sign3A_11 : i32
    %ne3A = arith.cmpi ne, %sign3A_5, %sign3A_12 : i32
    %rem3A = arith.remsi %arg0, %jit3A : i32
    %ne3A_13 = arith.constant 0 : i32
    %ne3A_14 = arith.cmpi ne, %rem3A, %ne3A_13 : i32
    %and3A = arith.andi %ne3A, %ne3A_14 : i1
    %sub3A = arith.constant 1 : i32
    %sub3A_15 = arith.subi %div3A, %sub3A : i32
    %select_n3A = arith.select %and3A, %sub3A_15, %div3A : i32
    %add3A = arith.constant 24 : i32
    %add3A_16 = arith.addi %add3A, %select_n3A : i32
    %c0_i32 = arith.constant 0 : i32
    %c0_i32_17 = arith.constant 0 : i32
    return %c0_i32, %add3A_16 : i32, i32
  }
  func.func @transform_3(%arg0: i32, %arg1: i32) -> (i32, i32, i32) {
    %c0_i32 = arith.constant 0 : i32
    %c0_i32_0 = arith.constant 0 : i32
    %c0_i32_1 = arith.constant 0 : i32
    return %arg0, %c0_i32, %c0_i32_0 : i32, i32, i32
  }
  func.func @transform_4(%arg0: i32, %arg1: i32) -> (i32, i32, i32, i32) {
    %c0_i32 = arith.constant 0 : i32
    %c0_i32_0 = arith.constant 0 : i32
    %c0_i32_1 = arith.constant 0 : i32
    %c0_i32_2 = arith.constant 0 : i32
    return %arg0, %c0_i32, %c0_i32_0, %c0_i32_1 : i32, i32, i32, i32
  }
  func.func @transform_5(%arg0: i32, %arg1: i32) -> (i32, i32) {
    %c0_i32 = arith.constant 0 : i32
    return %arg1, %arg0 : i32, i32
  }
}

module attributes {stable_mosaic.version = 14 : i64} {
  func.func @_proj_kernel(%arg0: i32, %arg1: memref<128x2048xbf16, #tpu.memory_space<vmem>>, %arg2: memref<2048x2048xbf16, #tpu.memory_space<vmem>>, %arg3: memref<128x2048xf32, #tpu.memory_space<vmem>>) attributes {dimension_semantics = [#tpu.dimension_semantics<arbitrary>], iteration_bounds = array<i64: 16>, scalar_prefetch = 0 : i64, scratch_operands = 0 : i64, tpu.core_type = #tpu.core_type<tc>, window_params = [{transform_indices = @transform_0, window_bounds = array<i64: 128, 2048>}, {pipeline_mode = #tpu.pipeline_mode<synchronous>, transform_indices = @transform_1, window_bounds = array<i64: 2048, 2048>}, {transform_indices = @transform_2, window_bounds = array<i64: 128, 2048>}]} {
    %get3A = arith.constant 0 : index
    %get3A_0 = arith.constant 0 : index
    %get3A_1 = vector.load %arg1[%get3A, %get3A_0] : memref<128x2048xbf16, #tpu.memory_space<vmem>>, vector<128x2048xbf16>
    %get3A_2 = arith.constant 0 : index
    %get3A_3 = arith.constant 0 : index
    %get3A_4 = vector.load %arg2[%get3A_2, %get3A_3] : memref<2048x2048xbf16, #tpu.memory_space<vmem>>, vector<2048x2048xbf16>
    %dot_general3A = arith.constant dense<0.000000e+00> : vector<128x2048xf32>
    %dot_general3A_5 = tpu.matmul %get3A_1, %get3A_4, %dot_general3A {dimension_numbers = #tpu.dot_dimension_numbers<[1], [0], [0], [1], [0, 0, 1, 1], [], []>, transpose_lhs_hint = false} : vector<128x2048xbf16>, vector<2048x2048xbf16>, vector<128x2048xf32> -> vector<128x2048xf32>
    %swap3A = arith.constant 0 : index
    %swap3A_6 = arith.constant 0 : index
    %swap3A_7 = vector.load %arg3[%swap3A, %swap3A_6] : memref<128x2048xf32, #tpu.memory_space<vmem>>, vector<128x2048xf32>
    tpu.vector_store %arg3[%swap3A, %swap3A_6], %dot_general3A_5 {strides = array<i32>} : memref<128x2048xf32, #tpu.memory_space<vmem>>, vector<128x2048xf32>,
    return
  }
  func.func @transform_0(%arg0: i32) -> (i32, i32) {
    %c0_i32 = arith.constant 0 : i32
    %c0_i32_0 = arith.constant 0 : i32
    return %arg0, %c0_i32 : i32, i32
  }
  func.func @transform_1(%arg0: i32) -> (i32, i32) {
    %c0_i32 = arith.constant 0 : i32
    %c0_i32_0 = arith.constant 0 : i32
    %c0_i32_1 = arith.constant 0 : i32
    return %c0_i32, %c0_i32_0 : i32, i32
  }
  func.func @transform_2(%arg0: i32) -> (i32, i32) {
    %c0_i32 = arith.constant 0 : i32
    %c0_i32_0 = arith.constant 0 : i32
    return %arg0, %c0_i32 : i32, i32
  }
}

</mosaic_0001>

<sc_bundles>
// kernel: kernel.6.cloned.1.call-start
scs
__scs_entry_jumppad:
0x0: {  	(pc) =	sbr.rel $0x88, $3  }
0x1: {  	(tag) =	ssettag $0x0;
	lr =	simm.s32 $0x1  }
0x2: {  	[smem:$0x3F98] =	sst lr;
	_ =	strace $0xD0000000  }
0x3: {  	_ = 	snop  }
0x4: {  	_ = 	snop  }
0x5: {  	_ = 	snop  }
0x6: {  	_ = 	snop  }
0x7: {  	_ = 	snop  }
__scs_overlays_trampoline_lowered:
0x8: {  	[smem:$0x3FA7] =	sst s0  }
0x9: {  	[smem:$0x3FA8] =	sst s1  }
0xa: {  	[smem:$0x3FA9] =	sst s2  }
0xb: {  	[smem:$0x3FAA] =	sst s3  }
0xc: {  	[smem:$0x3FAB] =	sst s4  }
0xd: {  	[smem:$0x3FAC] =	sst s5  }
0xe: {  	[smem:$0x3FAD] =	sst s6  }
0xf: {  	[smem:$0x3FAE] =	sst s7  }
0x10: {  	[smem:$0x3FAF] =	sst s8  }
0x11: {  	[smem:$0x3FB0] =	sst s9;
	s0 =	simm.s32 @!p0 $0x0  }
0x12: {  	s1 =	sld [smem:$0x3F96];
	s0 =	simm.s32 @p0 $0x1  }
0x13: {  	[smem:$0x3FB1] =	sst s0;
	s0 =	simm.s32 @!p1 $0x0  }
0x14: {  	s2 =	sld [smem:$0x3F95];
	s0 =	simm.s32 @p1 $0x1  }
0x15: {  	[smem:$0x3FB2] =	sst s0;
	s0 =	simm.s32 @!p2 $0x0  }
0x16: {  	s3 =	sld [smem:$0x3FDB];
	s0 =	simm.s32 @p2 $0x1  }
0x17: {  	s4 =	simm.s32 $0x1BF5;
	[smem:$0x3FB4] =	sst s0  }
0x18: {  	s0 =	sld [smem:$0x3F97];
	_ =	swait.ge [sflag:s4], $0x0  }
0x19: {  	s7 =	sld [smem:$0x3F98]  }
0x1a: {  	s8 =	sadd.s32 $0xFFFFE003, lr  }
0x1b: {  	s9 =	sadd.s32 $0xFFFFFEF7, lr;
	s5 =	simm.s32 $0xFFFFFFFF;
	p2 =	slt.u32 s8, $0xFFFFF086  }
0x1c: {  	p1 =	slt.u32 s9, $0xF7A;
	s5 =	simm.s32 @!p2 $0x0  }
0x1d: {  	s5 =	simm.s32 @p1 $0x1;
	p0 =	seq.s32 s7, s2  }
0x1e: {  	s7 =	smul.u32 @!p0 $0xF7A, s2;
	p2 =	seq.s32 @!p0 s5, $0x0  }
0x1f: {  	s9 =	smul.u32 $0xF7A, s1;
	s8 =	simm.s32 @!p0 $0x1BF5;
	p2 =	por !p2, p0  }
0x20: {  	[sflag:s8] =	ssyncset.s32 @!p0 $0xFFFFF086;
	s6 =	sadd.s32 @!p0 s3, s7;
	s7 =	simm.s32 @!p0 $0x108  }
0x21: {  	s3 =	sadd.s32 s3, s9;
	s6 =	sadd.s32 @!p0 $0x88, s6;
	s7 =	simm.s32 @p2 $0x1082  }
0x22: {  	[simem:s7], [sflag:s8] =	dma.local @!p0 [hbm:s6], $0xF7A  }
0x23: {  	s9 =	sor.u32 $0xD0000000, s2;
	s6 =	simm.s32 $0x108;
	_ =	swait.ge @!p0 [sflag:s8], $0x0  }
0x24: {  	s3 =	sadd.s32 $0x88, s3;
	s6 =	simm.s32 @!p1 $0x1082;
	[sflag:s4] =	ssyncset.s32 $0xFFFFF086  }
0x25: {  	[simem:s6], [sflag:s4] =	dma.local [hbm:s3], $0xF7A  }
0x26: {  	[smem:$0x3F98] =	sst s1;
	(tag) =	ssettag s2;
	_ =	strace s9  }
0x27: {  	s1 =	sld [smem:$0x3FA8]  }
0x28: {  	s2 =	sld [smem:$0x3FA9]  }
0x29: {  	s4 =	sld [smem:$0x3FAB]  }
0x2a: {  	p0 =	seq.s32 s5, $0x0;
	s5 =	sld [smem:$0x3FAC]  }
0x2b: {  	s6 =	sld [smem:$0x3FAD]  }
0x2c: {  	s7 =	sld [smem:$0x3FAE]  }
0x2d: {  	s3 =	simm.s32 $0x108;
	s8 =	sld [smem:$0x3FAF]  }
0x2e: {  	s3 =	simm.s32 @!p0 $0x1082;
	s9 =	sld [smem:$0x3FB0]  }
0x2f: {  	lr =	sadd.s32 s0, s3;
	s0 =	sld [smem:$0x3FA7]  }
0x30: {  	s3 =	sld [smem:$0x3FAA]  }
0x31: {  	[smem:$0x3FB3] =	sst s10  }
0x32: {  	s10 =	sld [smem:$0x3FB1];
	_ =	sdelay $0x3  }
0x33: {  	p0 =	seq.s32 s10, $0x1;
	s10 =	sld [smem:$0x3FB3];
	_ =	sdelay $0x3  }
0x34: {  	[smem:$0x3FB3] =	sst s10  }
0x35: {  	s10 =	sld [smem:$0x3FB2];
	_ =	sdelay $0x3  }
0x36: {  	p1 =	seq.s32 s10, $0x1;
	s10 =	sld [smem:$0x3FB3];
	_ =	sdelay $0x3  }
0x37: {  	[smem:$0x3FB3] =	sst s10  }
0x38: {  	s10 =	sld [smem:$0x3FB4]  }
0x39: {  	_ = 	snop;
	(pc) =	sbr.ind lr, $3  }
0x3a: {  	_ = 	snop  }
0x3b: {  	_ = 	snop  }
0x3c: {  	p2 =	seq.s32 s10, $0x1;
	s10 =	sld [smem:$0x3FB3]  }
0x3d: {  	_ =	shalt  }
0x3e: {  	_ =	shalt  }
0x3f: {  	_ =	shalt  }
0x40: {  	_ =	shalt  }
0x41: {  	_ =	shalt  }
0x42: {  	_ =	shalt  }
0x43: {  	_ =	shalt  }
0x44: {  	_ =	shalt  }
0x45: {  	_ =	shalt  }
0x46: {  	_ =	shalt  }
0x47: {  	_ =	shalt  }
0x48: {  	_ =	shalt  }
0x49: {  	_ =	shalt  }
0x4a: {  	_ =	shalt  }
0x4b: {  	_ =	shalt  }
0x4c: {  	_ =	shalt  }
0x4d: {  	_ =	shalt  }
0x4e: {  	_ =	shalt  }
0x4f: {  	_ =	shalt  }
0x50: {  	_ =	shalt  }
0x51: {  	_ =	shalt  }
0x52: {  	_ =	shalt  }
0x53: {  	_ =	shalt  }
0x54: {  	_ =	shalt  }
0x55: {  	_ =	shalt  }
0x56: {  	_ =	shalt  }
0x57: {  	_ =	shalt  }
0x58: {  	_ =	shalt  }
0x59: {  	_ =	shalt  }
0x5a: {  	_ =	shalt  }
0x5b: {  	_ =	shalt  }
0x5c: {  	_ =	shalt  }
0x5d: {  	_ =	shalt  }
0x5e: {  	_ =	shalt  }
0x5f: {  	_ =	shalt  }
0x60: {  	_ =	shalt  }
0x61: {  	_ =	shalt  }
0x62: {  	_ =	shalt  }
0x63: {  	_ =	shalt  }
0x64: {  	_ =	shalt  }
0x65: {  	_ =	shalt  }
0x66: {  	_ =	shalt  }
0x67: {  	_ =	shalt  }
0x68: {  	_ =	shalt  }
0x69: {  	_ =	shalt  }
0x6a: {  	_ =	shalt  }
0x6b: {  	_ =	shalt  }
0x6c: {  	_ =	shalt  }
0x6d: {  	_ =	shalt  }
0x6e: {  	_ =	shalt  }
0x6f: {  	_ =	shalt  }
0x70: {  	_ =	shalt  }
0x71: {  	_ =	shalt  }
0x72: {  	_ =	shalt  }
0x73: {  	_ =	shalt  }
0x74: {  	_ =	shalt  }
0x75: {  	_ =	shalt  }
0x76: {  	_ =	shalt  }
0x77: {  	_ =	shalt  }
0x78: {  	_ =	shalt  }
0x79: {  	_ =	shalt  }
0x7a: {  	_ =	shalt  }
0x7b: {  	_ =	shalt  }
0x7c: {  	_ =	shalt  }
0x7d: {  	_ =	shalt  }
0x7e: {  	_ =	shalt  }
0x7f: {  	_ =	shalt  }
0x80: {  	_ =	shalt  }
0x81: {  	_ =	shalt  }
0x82: {  	_ =	shalt  }
0x83: {  	_ =	shalt  }
0x84: {  	_ =	shalt  }
0x85: {  	_ =	shalt  }
0x86: {  	_ =	shalt  }
0x87: {  	_ =	shalt  }
.Lfunc_end0:
.L_simem_size_0:
called_computation_lowered:
.L_overlay_start_0:
0x88: {  	s2 =	sld [smem:$0x3FD9]  }
0x89: {  	s3 =	sld [smem:$0x3FFE];
	_ =	sdelay $0x1  }
0x8a: {  	s1 =	srdreg.scid  }
0x8b: {  	s0 =	sand.u32 $0x1, s1  }
0x8c: {  	s16 =	sshll.u32 s0, $0xA;
	s2 =	sadd.s32 s3, s2  }
0x8d: {  	s2 =	sadd.s32 s2, s16  }
0x8e: {  	[smem:$0x3FBF] =	sst s2  }
0x8f: {  	_ = 	snop  }
0x90: {  	(tm) =	ssettm $0x1  }
0x91: {  	s17 =	sld [smem:$0x3FFB];
	_ =	sdelay $0x3  }
0x92: {  	_ =	strace s17  }
0x93: {  	s2 =	sld [smem:$0x3FFC];
	_ =	sdelay $0x3  }
0x94: {  	_ =	strace s2  }
0x95: {  	s2 =	sld [smem:$0x3FFD];
	_ =	sdelay $0x3  }
0x96: {  	_ =	strace s2  }
0x97: {  	_ =	strace $0x8FFFFFFF  }
0x98: {  	s18 =	sld [smem:$0x3FDB];
	_ =	sdelay $0x1  }
0x99: {  	s19 =	simm.s32 $_scs_section_size  }
0x9a: {  	s4 =	simm.s32 $_size__tile_overlayer_lowered;
	s5 =	simm.s32 $_tile_overlayer_lowered  }
0x9b: {  	s22 =	simm.s32 $0x1BFF;
	s21 =	sshll.u32 s5, $0x1;
	s2 =	sadd.s32 s19, s18  }
0x9c: {  	s6 =	simm.s32 $0x0;
	s20 =	sshll.u32 s4, $0x1;
	s4 =	sadd.s32 s21, s2  }
0x9d: {  	[timem:s6], [sflag:s22] =	dma.local [hbm:s4], s20  }
0x9e: {  	_ =	swait.ge [sflag:s22], s20  }
0x9f: {  	s3 =	ssub.s32 $0x0, s20;
	[sflag:s22] =	ssyncset.done $0x0  }
0xa0: {  	[sflag:s22] =	ssyncadd.s32 s3;
	_ =	sdelay $0x1  }
0xa1: {  	s23 =	simm.s32 $0x1B8B  }
0xa2: {  	_ =	swait.ge [sflag:s23], $0x1  }
0xa3: {  	[sflag:s23] =	ssyncset.done $0x0  }
0xa4: {  	s25 =	simm.s32 $0x1B8E;
	s24 =	sld [smem:$0x3FFE];
	[sflag:s23] =	ssyncadd.s32 $0xFFFFFFFF  }
0xa5: {  	s26 =	simm.s32 $execute0_lowered;
	[smem:$0x3FD2] =	sst s25  }
0xa6: {  	s4 =	sshll.u32 s26, $0x1;
	_ =	strace $0x80000046;
	[dreg:$0x1] =	wrdreg $0xFFFFFFFF  }
0xa7: {  	s28 =	simm.s32 $_size_execute0_lowered;
	s2 =	sadd.s32 s2, s4;
	[dreg:$0x0] =	wrdreg $0x0  }
0xa8: {  	s4 =	sshll.u32 s28, $0x1;
	[dreg:$0x2] =	wrdreg s2  }
0xa9: {  	[dreg:$0x3] =	wrdreg s4  }
0xaa: {  	[dreg:$0x4] =	wrdreg $0xC0  }
0xab: {  	_ =	task [dreg:s6], $0x5FFFF  }
0xac: {  	[dreg:$0x1] =	wrdreg $0xFFFFFFFF  }
0xad: {  	[dreg:$0x0] =	wrdreg $0x60  }
0xae: {  	[dreg:$0x2] =	wrdreg s24  }
0xaf: {  	[dreg:$0x3] =	wrdreg $0x9  }
0xb0: {  	_ =	task.clear_ibuf [dreg:s6], $0x4FFFF;
	_ =	strace $0x90000046  }
0xb1: {  	s29 =	simm.s32 $0x9;
	_ =	strace $0x80000048  }
0xb2: {  	_ =	swait.ge [sflag:s29], $0x1  }
0xb3: {  	[sflag:s29] =	ssyncadd.s32 $0xFFFFFFFF  }
0xb4: {  	_ =	strace $0x90000048  }
0xb5: {  	_ =	sfence  }
0xb6: {  	s30 =	sld [smem:$0x0];
	_ =	sdelay $0x2  }
0xb7: {  	s31 =	sshll.u32 s1, $0xD;
	s1 =	sshrl.u32 s1, $0x2  }
0xb8: {  	s3 =	sand.u32 $0x4000, s31;
	s1 =	sadd.s32 s1, s30  }
0xb9: {  	s0 =	sor.u32 s3, s0;
	s1 =	sshll.u32 s1, $0x11  }
0xba: {  	s0 =	sor.u32 s1, s0  }
0xbb: {  	s0 =	sadd.s32 $0x8F2B, s0  }
0xbc: {  	[sflag:s0] =	ssyncadd.remote.s32 $0x1  }
0xbd: {  	_ =	sfence.sel $0xFFFF  }
0xbe: {  	[dreg:$0x0] =	wrdreg $0xFFFFFFFF;
	(pc) =	sbr.abs _section_cstart, $3  }
0xbf: {  	[dreg:$0x1] =	wrdreg $0xFFFFFFFF  }
0xc0: {  	_ =	task.clear_ibuf [dreg:s6], $0x2FFFF;
	_ =	strace $0x9FFFFFFF  }
0xc1: {  	(tm) =	ssettm $0x7FFFFFFF  }
tec
execute0_lowered:
.L_overlay_start_1:
0x0: {  	(tag) =	ssettag $0x1  }
0x1: {  	s3 =	rddreg [dreg:$0x0]  }
0x2: {  	s0 =	rddreg [dreg:$0x1]  }
0x3: {  	s2 =	simm.s32 $0x0;
	s4 =	srdreg.scid;
	s1 =	stileid.u32  }
0x4: {  	[smem:$0x7FF] =	sst s2;
	s4 =	sand.u32 $0x1, s4;
	s5 =	sshll.u32 s1, $0x1  }
0x5: {  	s8 =	simm.s32 $0x0;
	_ =	strace $0x80000047;
	s5 =	sor.u32 s4, s5  }
0x6: {  	s4 =	ssub.s32 $0x2, s4;
	s6 =	sshll.u32 s5, $0x5;
	s5 =	sshll.u32 s5, $0x8  }
0x7: {  	s7 =	sshrl.u32 s4, $0x1;
	s6 =	sadd.s32 s6, s3;
	s5 =	sadd.s32 s5, s3  }
0x8: {  	s7 =	ssub.s32 s4, s7;
	s3 =	sadd.s32 $0x2600, s6;
	s4 =	sadd.s32 $0x2A00, s5  }
0x9: {  	v0 =	vimm.f32 $0.0e+00;
	v1 =	vimm.f32 $1.000000000e+00;
	s5 =	smax.u32 s7, $0x1;
	s6 =	simm.s32 $0x800;
	s7 =	simm.s32 $0x1  }
.LBB2_1:
0xa: {  	[tilespmem:s6], [sflag:$0x1] =	stream.linear.gather [hbm4b:s3+s2], $0x100, $0x38;
	[tilespmem:$0x900] =	vst v63  }
0xb: {  	_ =	swait.ge [sflag:s7], $0x100  }
0xc: {  	[sflag:s7] =	ssyncset.done $0x0  }
0xd: {  	s9 =	simm.s32 $0x40;
	s10 =	simm.s32 $0x0;
	[sflag:s7] =	ssyncadd.s32 $0xFFFFFF00  }
.LBB2_2:
0xe: {  	p0 =	sne.s32 s9, $0x1FC0;
	[tilespmem:s10+$0x0] =	vst v0;
	s10 =	smov.u32 s9;
	s9 =	sadd.s32 $0x40, s9  }
.Ltmp0:
0xf: {  	(pc) =	sbr.rel @p0 .LBB2_2-.Ltmp0, $2  }
0x10: {  	_ =	sdelay $0x2  }
0x11: {  	s10 =	sshra.s32 s10, $0x2  }
0x12: {  	[tilespmem:s10+$0x0] =	vst v0  }
0x13: {  	v2 =	vld [tilespmem:$0x800];
	_ =	sdelay $0x7  }
0x14: {  	[tilespmem:v2+s2+$0x0] =	vst.idx.msk $0xffff, v1  }
0x15: {  	v2 =	vld [tilespmem:$0x810];
	_ =	sdelay $0x7  }
0x16: {  	[tilespmem:v2+s2+$0x0] =	vst.idx.msk $0xffff, v1  }
0x17: {  	v2 =	vld [tilespmem:$0x820];
	_ =	sdelay $0x7  }
0x18: {  	[tilespmem:v2+s2+$0x0] =	vst.idx.msk $0xffff, v1  }
0x19: {  	v2 =	vld [tilespmem:$0x830];
	_ =	sdelay $0x7  }
0x1a: {  	[tilespmem:v2+s2+$0x0] =	vst.idx.msk $0xffff, v1  }
0x1b: {  	v2 =	vld [tilespmem:$0x840];
	_ =	sdelay $0x7  }
0x1c: {  	[tilespmem:v2+s2+$0x0] =	vst.idx.msk $0xffff, v1  }
0x1d: {  	v2 =	vld [tilespmem:$0x850];
	_ =	sdelay $0x7  }
0x1e: {  	[tilespmem:v2+s2+$0x0] =	vst.idx.msk $0xffff, v1  }
0x1f: {  	v2 =	vld [tilespmem:$0x860];
	_ =	sdelay $0x7  }
0x20: {  	[tilespmem:v2+s2+$0x0] =	vst.idx.msk $0xffff, v1  }
0x21: {  	v2 =	vld [tilespmem:$0x870];
	_ =	sdelay $0x7  }
0x22: {  	[tilespmem:v2+s2+$0x0] =	vst.idx.msk $0xffff, v1  }
0x23: {  	v2 =	vld [tilespmem:$0x880];
	_ =	sdelay $0x7  }
0x24: {  	[tilespmem:v2+s2+$0x0] =	vst.idx.msk $0xffff, v1  }
0x25: {  	v2 =	vld [tilespmem:$0x890];
	_ =	sdelay $0x7  }
0x26: {  	[tilespmem:v2+s2+$0x0] =	vst.idx.msk $0xffff, v1  }
0x27: {  	v2 =	vld [tilespmem:$0x8A0];
	_ =	sdelay $0x7  }
0x28: {  	[tilespmem:v2+s2+$0x0] =	vst.idx.msk $0xffff, v1  }
0x29: {  	v2 =	vld [tilespmem:$0x8B0];
	_ =	sdelay $0x7  }
0x2a: {  	[tilespmem:v2+s2+$0x0] =	vst.idx.msk $0xffff, v1  }
0x2b: {  	v2 =	vld [tilespmem:$0x8C0];
	_ =	sdelay $0x7  }
0x2c: {  	[tilespmem:v2+s2+$0x0] =	vst.idx.msk $0xffff, v1  }
0x2d: {  	v2 =	vld [tilespmem:$0x8D0];
	_ =	sdelay $0x7  }
0x2e: {  	[tilespmem:v2+s2+$0x0] =	vst.idx.msk $0xffff, v1  }
0x2f: {  	v2 =	vld [tilespmem:$0x8E0];
	_ =	sdelay $0x7  }
0x30: {  	[tilespmem:v2+s2+$0x0] =	vst.idx.msk $0xffff, v1  }
0x31: {  	v2 =	vld [tilespmem:$0x8F0];
	_ =	sdelay $0x5  }
0x32: {  	s8 =	sadd.s32 $0x1, s8  }
0x33: {  	p0 =	sne.s32 s8, s5  }
.Ltmp1:
0x34: {  	[tilespmem:v2+s2+$0x0] =	vst.idx.msk $0xffff, v1;
	(pc) =	sbr.rel @p0 .LBB2_1-.Ltmp1, $4  }
0x35: {  	[hbm4b:s4+s2] =	stream.linear.scatter [tilespmem:s2], [sflag:$0x1], $0x800, $0x38;
	[tilespmem:$0x900] =	vst v63  }
0x36: {  	_ =	swait.ge [sflag:s7], $0x800  }
0x37: {  	[sflag:s7] =	ssyncset.done $0x0  }
0x38: {  	[sflag:s7] =	ssyncadd.s32 $0xFFFFF800  }
0x39: {  	_ =	sfence.sel $0x180000  }
0x3a: {  	[bflag:$0x0] =	sbarrier.arrive $0xFFFF  }
0x3b: {  	p0 =	sne.s32 s1, $0x0;
	_ =	strace $0x90000047  }
0x3c: {  	s0 =	sadd.s32 @!p0 $0x100000, s0;
	[bflag:$0x2] =	sbarrier.arrive $0xFFFF  }
0x3d: {  	[sflag:s0] =	ssyncadd.tile.s32 @!p0 $0x1;
	_ =	shalt  }
.Lfunc_end2:
_tile_overlayer_lowered:
.L_overlay_start_2:
0x3e: {  	(tag) =	ssettag $0x2  }
0x3f: {  	s0 =	rddreg [dreg:$0x0];
	s2 =	stileid.u32  }
0x40: {  	s1 =	rddreg [dreg:$0x1];
	p0 =	sne.s32 s2, $0x0  }
0x41: {  	s3 =	rddreg [dreg:$0x2];
	[bflag:$0x3] =	sbarrier.arrive $0xFFFF;
	s2 =	simm.s32 @!p0 $0x1C01  }
0x42: {  	[timem:s3], [sflag:s2] =	dma.local @!p0 [hbm:s0], s1  }
0x43: {  	s0 =	simm.s32 @!p0 $0x1  }
0x44: {  	_ =	swait.ge @!p0 [sflag:s0], s1  }
0x45: {  	s1 =	ssub.s32 @!p0 $0x0, s1;
	[sflag:s0] =	ssyncset.done @!p0 $0x0  }
0x46: {  	[sflag:s0] =	ssyncadd.s32 @!p0 s1  }
0x47: {  	[bflag:$0x3] =	sbarrier.arrive $0xFFFF  }
0x48: {  	_ =	shalt  }

</sc_bundles>
